<compile_context>
chip_gen: v7x
topology: tpu7x:2x2x1
jax: 0.10.2.dev20260603
libtpu: 0.0.44.dev20260713+nightly
codegen_flags: <defaults>
</compile_context>

<pallas_src>
import jax
import jax.numpy as jnp
from jax import lax
from jax.experimental import pallas as pl
from jax.experimental.pallas import tpu as pltpu
from jax.experimental.pallas import tpu_sc as plsc

NC = 2
NS = 16
NW = NC * NS
LANE = 128
CNTW = 16
NODE_PAD = 10240



def _edge_agg(table, edges, with_cnt):
    d = table.shape[1]
    nrows = edges.shape[1]
    q, rem = divmod(nrows, NW)
    assert q % 2 == 0, "2-deep pipeline assumes an even base row count"
    rpt = NODE_PAD // NS
    mesh = plsc.VectorSubcoreMesh(core_axis_name="c", subcore_axis_name="s",
                                  num_cores=NC, num_subcores=NS)

    out_type = [jax.ShapeDtypeStruct((NC, NODE_PAD, d), jnp.float32)]
    scratch = [
        pltpu.VMEM((q + 1, LANE), jnp.int32),
        pltpu.VMEM((q + 1, LANE), jnp.int32),
        pltpu.VMEM((2, LANE, d), jnp.float32),
        pltpu.VMEM_SHARED((NODE_PAD, d), jnp.float32),
        pltpu.SemaphoreType.DMA,
        pltpu.SemaphoreType.DMA,
    ]
    if with_cnt:
        out_type.append(jax.ShapeDtypeStruct((NC, NODE_PAD, CNTW),
                                             jnp.float32))
        scratch += [
            pltpu.VMEM((LANE, CNTW), jnp.float32),
            pltpu.VMEM_SHARED((NODE_PAD, CNTW), jnp.float32),
            pltpu.SemaphoreType.DMA,
        ]

    zrow = jnp.zeros((rpt, d), jnp.float32)
    zcnt = jnp.zeros((rpt, CNTW), jnp.float32)
    ones = jnp.ones((LANE, CNTW), jnp.float32)

    def body(edges_hbm, table_hbm, zrow_hbm, zcnt_hbm, ones_hbm,
             out_hbm, *rest):
        if with_cnt:
            (cnt_hbm, idx_s, idx_d, rows_v, acc, sem0, sem1,
             ones_v, acc_c, sem_c) = rest
        else:
            idx_s, idx_d, rows_v, acc, sem0, sem1 = rest
        sems = (sem0, sem1)
        c = lax.axis_index("c")
        s = lax.axis_index("s")
        w = s * NC + c
        row0 = q * w + jnp.minimum(w, rem)
        nrw = q + (w < rem).astype(jnp.int32)

        pltpu.sync_copy(zrow_hbm, acc.at[pl.ds(s * rpt, rpt)])
        if with_cnt:
            pltpu.sync_copy(zcnt_hbm, acc_c.at[pl.ds(s * rpt, rpt)])
            pltpu.sync_copy(ones_hbm, ones_v)
        pltpu.sync_copy(edges_hbm.at[0, pl.ds(row0, q)],
                        idx_s.at[pl.ds(0, q)])
        pltpu.sync_copy(edges_hbm.at[1, pl.ds(row0, q)],
                        idx_d.at[pl.ds(0, q)])
        if rem:
            @pl.when(w < rem)
            def _():
                pltpu.sync_copy(edges_hbm.at[0, row0 + q], idx_s.at[q])
                pltpu.sync_copy(edges_hbm.at[1, row0 + q], idx_d.at[q])
        plsc.subcore_barrier()

        for k in range(2):
            pltpu.async_copy(table_hbm.at[idx_s.at[k]], rows_v.at[k], sems[k])

        def step(r, k, prefetch):
            pltpu.make_async_copy(table_hbm.at[idx_s.at[r]],
                                  rows_v.at[k], sems[k]).wait()
            if with_cnt:
                pltpu.async_copy(ones_v, acc_c.at[idx_d.at[r]], sem_c,
                                 add=True)
            pltpu.sync_copy(rows_v.at[k], acc.at[idx_d.at[r]], add=True)
            if prefetch:
                @pl.when(r + 2 < nrw)
                def _():
                    pltpu.async_copy(table_hbm.at[idx_s.at[r + 2]],
                                     rows_v.at[k], sems[k])

        @pl.loop(0, q // 2)
        def _(i):
            for k in range(2):
                step(i * 2 + k, k, True)

        if rem:
            @pl.when(w < rem)
            def _():
                step(q, q % 2, False)

        if with_cnt:
            @pl.loop(0, nrw)
            def _(r):
                pltpu.make_async_copy(ones_v, acc_c.at[idx_d.at[0]],
                                      sem_c).wait()

        plsc.subcore_barrier()
        pltpu.sync_copy(acc.at[pl.ds(s * rpt, rpt)],
                        out_hbm.at[c, pl.ds(s * rpt, rpt), :])
        if with_cnt:
            pltpu.sync_copy(acc_c.at[pl.ds(s * rpt, rpt)],
                            cnt_hbm.at[c, pl.ds(s * rpt, rpt), :])

    fn = pl.kernel(body, out_type=tuple(out_type), mesh=mesh,
                   scratch_types=tuple(scratch),
                   compiler_params=pltpu.CompilerParams(
                       use_tc_tiling_on_sc=False))
    return fn(edges, table, zrow, zcnt, ones)



def _dot_t(a, w):
    return lax.dot_general(a, w, (((1,), (1,)), ((), ())),
                           preferred_element_type=jnp.float32)


def _proj(x, wl, wr, b):
    n, din = x.shape
    dout = wl.shape[0]
    blk = 1280
    grid = NODE_PAD // blk

    def body(x_ref, wl_ref, wr_ref, b_ref, xl_ref, xr_ref):
        xb = x_ref[...]
        xl_ref[...] = _dot_t(xb, wl_ref[...])
        xr_ref[...] = _dot_t(xb, wr_ref[...]) + b_ref[...]

    row = lambda i: (i, 0)
    full = lambda i: (0, 0)
    return pl.pallas_call(
        body,
        grid=(grid,),
        in_specs=[pl.BlockSpec((blk, din), row),
                  pl.BlockSpec((dout, din), full),
                  pl.BlockSpec((dout, din), full),
                  pl.BlockSpec((1, dout), full)],
        out_specs=[pl.BlockSpec((blk, dout), row),
                   pl.BlockSpec((blk, dout), row)],
        out_shape=[jax.ShapeDtypeStruct((NODE_PAD, dout), jnp.float32)] * 2,
    )(x, wl, wr, b.reshape(1, dout))


def _mid(p, c, xr, wl, wr, b):
    _, n, din = p.shape
    dout = wl.shape[0]
    blk = 2560
    grid = n // blk

    def body(p_ref, c_ref, xr_ref, wl_ref, wr_ref, b_ref,
             hl_ref, hr_ref, ct_ref):
        cnt = c_ref[0, :, :1] + c_ref[1, :, :1]
        ct_ref[...] = cnt
        h = (p_ref[0] + p_ref[1]) / jnp.maximum(cnt, 1.0) + xr_ref[...]
        h = jnp.maximum(h, 0.0)
        hl_ref[...] = _dot_t(h, wl_ref[...])
        hr_ref[...] = _dot_t(h, wr_ref[...]) + b_ref[...]

    row3 = lambda i: (0, i, 0)
    row = lambda i: (i, 0)
    full = lambda i: (0, 0)
    return pl.pallas_call(
        body,
        grid=(grid,),
        in_specs=[pl.BlockSpec((2, blk, din), row3),
                  pl.BlockSpec((2, blk, CNTW), row3),
                  pl.BlockSpec((blk, din), row),
                  pl.BlockSpec((dout, din), full),
                  pl.BlockSpec((dout, din), full),
                  pl.BlockSpec((1, dout), full)],
        out_specs=[pl.BlockSpec((blk, dout), row),
                   pl.BlockSpec((blk, dout), row),
                   pl.BlockSpec((blk, 1), row)],
        out_shape=[jax.ShapeDtypeStruct((n, dout), jnp.float32),
                   jax.ShapeDtypeStruct((n, dout), jnp.float32),
                   jax.ShapeDtypeStruct((n, 1), jnp.float32)],
    )(p, c, xr, wl, wr, b.reshape(1, dout))


def _final(qp, ct, hr, n_out):
    _, _, d = qp.shape
    blk = 2000
    grid = n_out // blk

    def body(q_ref, ct_ref, hr_ref, o_ref):
        o_ref[...] = ((q_ref[0] + q_ref[1])
                      / jnp.maximum(ct_ref[...], 1.0) + hr_ref[...])

    row3 = lambda i: (0, i, 0)
    row = lambda i: (i, 0)
    return pl.pallas_call(
        body,
        grid=(grid,),
        in_specs=[pl.BlockSpec((2, blk, d), row3),
                  pl.BlockSpec((blk, 1), row),
                  pl.BlockSpec((blk, d), row)],
        out_specs=pl.BlockSpec((blk, d), row),
        out_shape=jax.ShapeDtypeStruct((n_out, d), jnp.float32),
    )(qp, ct, hr)



def kernel(x, edge_index, W1_l, b1, W1_r, W2_l, b2, W2_r):
    n = x.shape[0]
    e = edge_index.shape[1]
    assert e % LANE == 0
    edges = edge_index.astype(jnp.int32).reshape(2, e // LANE, LANE)

    xl, xr = _proj(x, W1_l, W1_r, b1)
    p, c = _edge_agg(xl, edges, with_cnt=True)
    hl, hr, ct = _mid(p, c, xr, W2_l, W2_r, b2)
    (qp,) = _edge_agg(hl, edges, with_cnt=False)
    return _final(qp, ct, hr, n)

# --- scband reference (transcript-rebuilt; emitter-appended) ---
"""Pipeline reference for scband-account-gnn-53326313947833 (READ-ONLY COPY).

The authoritative reference and input builder live on the scoring server;
editing this copy changes nothing except your own understanding.
"""

import jax, jax.numpy as jnp
import numpy as np

N_NODES = 10000
N_EDGES = 320000
IN_DIM = 128
H1 = 64
H2 = 32


def setup_inputs(seed: int = 0) -> dict:
    key = jax.random.key(seed)
    ks = jax.random.split(key, 8)
    x = jax.random.normal(ks[0], (N_NODES, IN_DIM), dtype=jnp.float32)
    edge_index = jax.random.randint(ks[1], (2, N_EDGES), 0, N_NODES, dtype=jnp.int64)
    # SAGEConv layer 1: lin_l (aggregated neighbors, with bias), lin_r (root, no bias)
    W1_l = jax.random.normal(ks[2], (H1, IN_DIM), dtype=jnp.float32) * 0.05
    b1 = jax.random.normal(ks[3], (H1,), dtype=jnp.float32) * 0.05
    W1_r = jax.random.normal(ks[4], (H1, IN_DIM), dtype=jnp.float32) * 0.05
    # SAGEConv layer 2
    W2_l = jax.random.normal(ks[5], (H2, H1), dtype=jnp.float32) * 0.05
    b2 = jax.random.normal(ks[6], (H2,), dtype=jnp.float32) * 0.05
    W2_r = jax.random.normal(ks[7], (H2, H1), dtype=jnp.float32) * 0.05
    return {"x": x, "edge_index": edge_index, "W1_l": W1_l, "b1": b1, "W1_r": W1_r,
            "W2_l": W2_l, "b2": b2, "W2_r": W2_r}


def _sage_conv(x, edge_index, W_l, b_l, W_r):
    # PyG SAGEConv with mean aggregation:
    #   out = lin_l(mean_{j in N(i)} x_j) + lin_r(x_i)
    src = edge_index[0]
    dst = edge_index[1]
    msgs = jnp.take(x, src, axis=0)
    agg = jax.ops.segment_sum(msgs, dst, num_segments=x.shape[0])
    cnt = jax.ops.segment_sum(jnp.ones((edge_index.shape[1],), dtype=x.dtype), dst,
                              num_segments=x.shape[0])
    agg = agg / jnp.clip(cnt, 1.0, None)[:, None]
    return agg @ W_l.T + b_l + x @ W_r.T


def reference(x, edge_index, W1_l, b1, W1_r, W2_l, b2, W2_r):
    h = _sage_conv(x, edge_index, W1_l, b1, W1_r)
    h = jax.nn.relu(h)
    out = _sage_conv(h, edge_index, W2_l, b2, W2_r)
    return out

if __name__ == "__main__":
    import jax
    _d = setup_inputs()
    print(jax.jit(kernel)(*tuple(_d.values())))

</pallas_src>

<mosaic_0001>
#map = affine_map<(d0, d1) -> (0, 0, 0)>
#map1 = affine_map<(d0, d1) -> (0, 0)>
module attributes {stable_mosaic.version = 14 : i64} {
  func.func @body(%arg0: i32, %arg1: i32, %arg2: memref<2x2500x128xi32, #tpu.memory_space<hbm>>, %arg3: memref<10240x64xf32, #tpu.memory_space<hbm>>, %arg4: memref<640x64xf32, #tpu.memory_space<hbm>>, %arg5: memref<640x16xf32, #tpu.memory_space<hbm>>, %arg6: memref<128x16xf32, #tpu.memory_space<hbm>>, %arg7: memref<2x10240x64xf32, #tpu.memory_space<hbm>>, %arg8: memref<2x10240x16xf32, #tpu.memory_space<hbm>>, %arg9: memref<79x128xi32, #tpu.memory_space<vmem>>, %arg10: memref<79x128xi32, #tpu.memory_space<vmem>>, %arg11: memref<2x128x64xf32, #tpu.memory_space<vmem>>, %arg12: memref<10240x64xf32, #tpu.memory_space<vmem_shared>>, %arg13: memref<!tpu.dma_semaphore, #tpu.memory_space<semaphore_mem>>, %arg14: memref<!tpu.dma_semaphore, #tpu.memory_space<semaphore_mem>>, %arg15: memref<128x16xf32, #tpu.memory_space<vmem>>, %arg16: memref<10240x16xf32, #tpu.memory_space<vmem_shared>>, %arg17: memref<!tpu.dma_semaphore, #tpu.memory_space<semaphore_mem>>) attributes {dimension_semantics = [#tpu.dimension_semantics<core_parallel>, #tpu.dimension_semantics<subcore_parallel>], iteration_bounds = array<i64: 2, 16>, scalar_prefetch = 0 : i64, scratch_operands = 9 : i64, tpu.core_type = #tpu.core_type<sc_vector_subcore>, window_params = [{transform_indices = #map}, {transform_indices = #map1}, {transform_indices = #map1}, {transform_indices = #map1}, {transform_indices = #map1}, {transform_indices = #map}, {transform_indices = #map}]} {
    %mul3A = arith.constant 2 : i32
    %mul3A_0 = arith.muli %arg1, %mul3A : i32
    %add3A = arith.addi %mul3A_0, %arg0 : i32
    %mul3A_1 = arith.constant 78 : i32
    %mul3A_2 = arith.muli %mul3A_1, %add3A : i32
    %min3A = arith.constant 4 : i32
    %min3A_3 = arith.minsi %add3A, %min3A : i32
    %add3A_4 = arith.addi %mul3A_2, %min3A_3 : i32
    %lt3A = arith.constant 4 : i32
    %lt3A_5 = arith.cmpi slt, %add3A, %lt3A : i32
    %convert_element_type3A = arith.extui %lt3A_5 : i1 to i32
    %add3A_6 = arith.constant 78 : i32
    %add3A_7 = arith.addi %add3A_6, %convert_element_type3A : i32
    %mul3A_8 = arith.constant 640 : i32
    %mul3A_9 = arith.muli %arg1, %mul3A_8 : i32
    "tpu.region"() ({
      %run_scoped3A_74 = tpu.sem_alloc : memref<!tpu.dma_semaphore, #tpu.memory_space<semaphore_mem>>
      %dma_start3A_75 = arith.constant 0 : i32
      %dma_start3A_76 = tpu.memref_slice %arg12[%mul3A_9, %dma_start3A_75] : memref<10240x64xf32, #tpu.memory_space<vmem_shared>> -> memref<640x64xf32, #tpu.memory_space<vmem_shared>>
      tpu.enqueue_dma source(%arg4 : memref<640x64xf32, #tpu.memory_space<hbm>>) target(%dma_start3A_76 : memref<640x64xf32, #tpu.memory_space<vmem_shared>>) target_semaphore(%run_scoped3A_74 : memref<!tpu.dma_semaphore, #tpu.memory_space<semaphore_mem>>)
      %dma_wait3A = arith.constant 0 : i32
      %dma_wait3A_77 = tpu.memref_slice %arg12[%mul3A_9, %dma_wait3A] : memref<10240x64xf32, #tpu.memory_space<vmem_shared>> -> memref<640x64xf32, #tpu.memory_space<vmem_shared>>
      tpu.wait_dma2 semaphore(%run_scoped3A_74 : memref<!tpu.dma_semaphore, #tpu.memory_space<semaphore_mem>>) src(%arg4 : memref<640x64xf32, #tpu.memory_space<hbm>>) dst(%dma_wait3A_77 : memref<640x64xf32, #tpu.memory_space<vmem_shared>>)
      tpu.yield
    }) : () -> ()
    %mul3A_10 = arith.constant 640 : i32
    %mul3A_11 = arith.muli %arg1, %mul3A_10 : i32
    "tpu.region"() ({
      %run_scoped3A_74 = tpu.sem_alloc : memref<!tpu.dma_semaphore, #tpu.memory_space<semaphore_mem>>
      %dma_start3A_75 = arith.constant 0 : i32
      %dma_start3A_76 = tpu.memref_slice %arg16[%mul3A_11, %dma_start3A_75] : memref<10240x16xf32, #tpu.memory_space<vmem_shared>> -> memref<640x16xf32, #tpu.memory_space<vmem_shared>>
      tpu.enqueue_dma source(%arg5 : memref<640x16xf32, #tpu.memory_space<hbm>>) target(%dma_start3A_76 : memref<640x16xf32, #tpu.memory_space<vmem_shared>>) target_semaphore(%run_scoped3A_74 : memref<!tpu.dma_semaphore, #tpu.memory_space<semaphore_mem>>)
      %dma_wait3A = arith.constant 0 : i32
      %dma_wait3A_77 = tpu.memref_slice %arg16[%mul3A_11, %dma_wait3A] : memref<10240x16xf32, #tpu.memory_space<vmem_shared>> -> memref<640x16xf32, #tpu.memory_space<vmem_shared>>
      tpu.wait_dma2 semaphore(%run_scoped3A_74 : memref<!tpu.dma_semaphore, #tpu.memory_space<semaphore_mem>>) src(%arg5 : memref<640x16xf32, #tpu.memory_space<hbm>>) dst(%dma_wait3A_77 : memref<640x16xf32, #tpu.memory_space<vmem_shared>>)
      tpu.yield
    }) : () -> ()
    "tpu.region"() ({
      %run_scoped3A_74 = tpu.sem_alloc : memref<!tpu.dma_semaphore, #tpu.memory_space<semaphore_mem>>
      tpu.enqueue_dma source(%arg6 : memref<128x16xf32, #tpu.memory_space<hbm>>) target(%arg15 : memref<128x16xf32, #tpu.memory_space<vmem>>) target_semaphore(%run_scoped3A_74 : memref<!tpu.dma_semaphore, #tpu.memory_space<semaphore_mem>>)
      tpu.wait_dma2 semaphore(%run_scoped3A_74 : memref<!tpu.dma_semaphore, #tpu.memory_space<semaphore_mem>>) src(%arg6 : memref<128x16xf32, #tpu.memory_space<hbm>>) dst(%arg15 : memref<128x16xf32, #tpu.memory_space<vmem>>)
      tpu.yield
    }) : () -> ()
    %run_scoped3A = arith.constant 0 : i32
    "tpu.region"() ({
      %run_scoped3A_74 = tpu.sem_alloc : memref<!tpu.dma_semaphore, #tpu.memory_space<semaphore_mem>>
      %dma_start3A_75 = arith.constant 0 : i32
      %dma_start3A_76 = arith.constant 0 : i32
      %dma_start3A_77 = tpu.memref_slice %arg9[%dma_start3A_75, %dma_start3A_76] : memref<79x128xi32, #tpu.memory_space<vmem>> -> memref<78x128xi32, #tpu.memory_space<vmem>>
      %dma_start3A_78 = arith.constant 0 : i32
      %dma_start3A_79 = tpu.memref_slice %arg2[%run_scoped3A, %add3A_4, %dma_start3A_78] : memref<2x2500x128xi32, #tpu.memory_space<hbm>> -> memref<1x78x128xi32, #tpu.memory_space<hbm>>
      %dma_start3A_80 = tpu.memref_squeeze %dma_start3A_79 : memref<1x78x128xi32, #tpu.memory_space<hbm>> -> memref<78x128xi32, #tpu.memory_space<hbm>>
      %dma_start3A_81 = arith.constant 0 : i32
      %dma_start3A_82 = arith.constant 0 : i32
      %dma_start3A_83 = tpu.memref_slice %arg9[%dma_start3A_81, %dma_start3A_82] : memref<79x128xi32, #tpu.memory_space<vmem>> -> memref<78x128xi32, #tpu.memory_space<vmem>>
      %dma_start3A_84 = arith.constant 0 : i32
      %dma_start3A_85 = tpu.memref_slice %arg2[%run_scoped3A, %add3A_4, %dma_start3A_84] : memref<2x2500x128xi32, #tpu.memory_space<hbm>> -> memref<1x78x128xi32, #tpu.memory_space<hbm>>
      %dma_start3A_86 = tpu.memref_squeeze %dma_start3A_85 : memref<1x78x128xi32, #tpu.memory_space<hbm>> -> memref<78x128xi32, #tpu.memory_space<hbm>>
      tpu.enqueue_dma source(%dma_start3A_86 : memref<78x128xi32, #tpu.memory_space<hbm>>) target(%dma_start3A_83 : memref<78x128xi32, #tpu.memory_space<vmem>>) target_semaphore(%run_scoped3A_74 : memref<!tpu.dma_semaphore, #tpu.memory_space<semaphore_mem>>)
      %dma_wait3A = arith.constant 0 : i32
      %dma_wait3A_87 = arith.constant 0 : i32
      %dma_wait3A_88 = tpu.memref_slice %arg9[%dma_wait3A, %dma_wait3A_87] : memref<79x128xi32, #tpu.memory_space<vmem>> -> memref<78x128xi32, #tpu.memory_space<vmem>>
      %dma_wait3A_89 = arith.constant 0 : i32
      %dma_wait3A_90 = tpu.memref_slice %arg2[%run_scoped3A, %add3A_4, %dma_wait3A_89] : memref<2x2500x128xi32, #tpu.memory_space<hbm>> -> memref<1x78x128xi32, #tpu.memory_space<hbm>>
      %dma_wait3A_91 = tpu.memref_squeeze %dma_wait3A_90 : memref<1x78x128xi32, #tpu.memory_space<hbm>> -> memref<78x128xi32, #tpu.memory_space<hbm>>
      %dma_wait3A_92 = arith.constant 0 : i32
      %dma_wait3A_93 = arith.constant 0 : i32
      %dma_wait3A_94 = tpu.memref_slice %arg9[%dma_wait3A_92, %dma_wait3A_93] : memref<79x128xi32, #tpu.memory_space<vmem>> -> memref<78x128xi32, #tpu.memory_space<vmem>>
      %dma_wait3A_95 = arith.constant 0 : i32
      %dma_wait3A_96 = tpu.memref_slice %arg2[%run_scoped3A, %add3A_4, %dma_wait3A_95] : memref<2x2500x128xi32, #tpu.memory_space<hbm>> -> memref<1x78x128xi32, #tpu.memory_space<hbm>>
      %dma_wait3A_97 = tpu.memref_squeeze %dma_wait3A_96 : memref<1x78x128xi32, #tpu.memory_space<hbm>> -> memref<78x128xi32, #tpu.memory_space<hbm>>
      tpu.wait_dma2 semaphore(%run_scoped3A_74 : memref<!tpu.dma_semaphore, #tpu.memory_space<semaphore_mem>>) src(%dma_wait3A_97 : memref<78x128xi32, #tpu.memory_space<hbm>>) dst(%dma_wait3A_94 : memref<78x128xi32, #tpu.memory_space<vmem>>)
      tpu.yield
    }) : () -> ()
    %run_scoped3A_12 = arith.constant 1 : i32
    "tpu.region"() ({
      %run_scoped3A_74 = tpu.sem_alloc : memref<!tpu.dma_semaphore, #tpu.memory_space<semaphore_mem>>
      %dma_start3A_75 = arith.constant 0 : i32
      %dma_start3A_76 = arith.constant 0 : i32
      %dma_start3A_77 = tpu.memref_slice %arg10[%dma_start3A_75, %dma_start3A_76] : memref<79x128xi32, #tpu.memory_space<vmem>> -> memref<78x128xi32, #tpu.memory_space<vmem>>
      %dma_start3A_78 = arith.constant 0 : i32
      %dma_start3A_79 = tpu.memref_slice %arg2[%run_scoped3A_12, %add3A_4, %dma_start3A_78] : memref<2x2500x128xi32, #tpu.memory_space<hbm>> -> memref<1x78x128xi32, #tpu.memory_space<hbm>>
      %dma_start3A_80 = tpu.memref_squeeze %dma_start3A_79 : memref<1x78x128xi32, #tpu.memory_space<hbm>> -> memref<78x128xi32, #tpu.memory_space<hbm>>
      %dma_start3A_81 = arith.constant 0 : i32
      %dma_start3A_82 = arith.constant 0 : i32
      %dma_start3A_83 = tpu.memref_slice %arg10[%dma_start3A_81, %dma_start3A_82] : memref<79x128xi32, #tpu.memory_space<vmem>> -> memref<78x128xi32, #tpu.memory_space<vmem>>
      %dma_start3A_84 = arith.constant 0 : i32
      %dma_start3A_85 = tpu.memref_slice %arg2[%run_scoped3A_12, %add3A_4, %dma_start3A_84] : memref<2x2500x128xi32, #tpu.memory_space<hbm>> -> memref<1x78x128xi32, #tpu.memory_space<hbm>>
      %dma_start3A_86 = tpu.memref_squeeze %dma_start3A_85 : memref<1x78x128xi32, #tpu.memory_space<hbm>> -> memref<78x128xi32, #tpu.memory_space<hbm>>
      tpu.enqueue_dma source(%dma_start3A_86 : memref<78x128xi32, #tpu.memory_space<hbm>>) target(%dma_start3A_83 : memref<78x128xi32, #tpu.memory_space<vmem>>) target_semaphore(%run_scoped3A_74 : memref<!tpu.dma_semaphore, #tpu.memory_space<semaphore_mem>>)
      %dma_wait3A = arith.constant 0 : i32
      %dma_wait3A_87 = arith.constant 0 : i32
      %dma_wait3A_88 = tpu.memref_slice %arg10[%dma_wait3A, %dma_wait3A_87] : memref<79x128xi32, #tpu.memory_space<vmem>> -> memref<78x128xi32, #tpu.memory_space<vmem>>
      %dma_wait3A_89 = arith.constant 0 : i32
      %dma_wait3A_90 = tpu.memref_slice %arg2[%run_scoped3A_12, %add3A_4, %dma_wait3A_89] : memref<2x2500x128xi32, #tpu.memory_space<hbm>> -> memref<1x78x128xi32, #tpu.memory_space<hbm>>
      %dma_wait3A_91 = tpu.memref_squeeze %dma_wait3A_90 : memref<1x78x128xi32, #tpu.memory_space<hbm>> -> memref<78x128xi32, #tpu.memory_space<hbm>>
      %dma_wait3A_92 = arith.constant 0 : i32
      %dma_wait3A_93 = arith.constant 0 : i32
      %dma_wait3A_94 = tpu.memref_slice %arg10[%dma_wait3A_92, %dma_wait3A_93] : memref<79x128xi32, #tpu.memory_space<vmem>> -> memref<78x128xi32, #tpu.memory_space<vmem>>
      %dma_wait3A_95 = arith.constant 0 : i32
      %dma_wait3A_96 = tpu.memref_slice %arg2[%run_scoped3A_12, %add3A_4, %dma_wait3A_95] : memref<2x2500x128xi32, #tpu.memory_space<hbm>> -> memref<1x78x128xi32, #tpu.memory_space<hbm>>
      %dma_wait3A_97 = tpu.memref_squeeze %dma_wait3A_96 : memref<1x78x128xi32, #tpu.memory_space<hbm>> -> memref<78x128xi32, #tpu.memory_space<hbm>>
      tpu.wait_dma2 semaphore(%run_scoped3A_74 : memref<!tpu.dma_semaphore, #tpu.memory_space<semaphore_mem>>) src(%dma_wait3A_97 : memref<78x128xi32, #tpu.memory_space<hbm>>) dst(%dma_wait3A_94 : memref<78x128xi32, #tpu.memory_space<vmem>>)
      tpu.yield
    }) : () -> ()
    %lt3A_13 = arith.constant 4 : i32
    %lt3A_14 = arith.cmpi slt, %add3A, %lt3A_13 : i32
    %convert_element_type3A_15 = arith.extui %lt3A_14 : i1 to i32
    %cond3A = arith.constant 0 : i32
    %cond3A_16 = arith.cmpi ne, %convert_element_type3A_15, %cond3A : i32
    scf.if %cond3A_16 {
      %add3A_74 = arith.constant 78 : i32
      %add3A_75 = arith.addi %add3A_4, %add3A_74 : i32
      %run_scoped3A_76 = arith.constant 0 : i32
      %run_scoped3A_77 = arith.constant 78 : i32
      "tpu.region"() ({
        %run_scoped3A_82 = tpu.sem_alloc : memref<!tpu.dma_semaphore, #tpu.memory_space<semaphore_mem>>
        %dma_start3A_83 = arith.constant 0 : i32
        %dma_start3A_84 = tpu.memref_slice %arg9[%run_scoped3A_77, %dma_start3A_83] : memref<79x128xi32, #tpu.memory_space<vmem>> -> memref<1x128xi32, #tpu.memory_space<vmem>>
        %dma_start3A_85 = tpu.memref_squeeze %dma_start3A_84 : memref<1x128xi32, #tpu.memory_space<vmem>> -> memref<128xi32, #tpu.memory_space<vmem>>
        %dma_start3A_86 = arith.constant 0 : i32
        %dma_start3A_87 = tpu.memref_slice %arg2[%run_scoped3A_76, %add3A_75, %dma_start3A_86] : memref<2x2500x128xi32, #tpu.memory_space<hbm>> -> memref<1x1x128xi32, #tpu.memory_space<hbm>>
        %dma_start3A_88 = tpu.memref_squeeze %dma_start3A_87 : memref<1x1x128xi32, #tpu.memory_space<hbm>> -> memref<128xi32, #tpu.memory_space<hbm>>
        %dma_start3A_89 = arith.constant 0 : i32
        %dma_start3A_90 = tpu.memref_slice %arg9[%run_scoped3A_77, %dma_start3A_89] : memref<79x128xi32, #tpu.memory_space<vmem>> -> memref<1x128xi32, #tpu.memory_space<vmem>>
        %dma_start3A_91 = tpu.memref_squeeze %dma_start3A_90 : memref<1x128xi32, #tpu.memory_space<vmem>> -> memref<128xi32, #tpu.memory_space<vmem>>
        %dma_start3A_92 = arith.constant 0 : i32
        %dma_start3A_93 = tpu.memref_slice %arg2[%run_scoped3A_76, %add3A_75, %dma_start3A_92] : memref<2x2500x128xi32, #tpu.memory_space<hbm>> -> memref<1x1x128xi32, #tpu.memory_space<hbm>>
        %dma_start3A_94 = tpu.memref_squeeze %dma_start3A_93 : memref<1x1x128xi32, #tpu.memory_space<hbm>> -> memref<128xi32, #tpu.memory_space<hbm>>
        tpu.enqueue_dma source(%dma_start3A_94 : memref<128xi32, #tpu.memory_space<hbm>>) target(%dma_start3A_91 : memref<128xi32, #tpu.memory_space<vmem>>) target_semaphore(%run_scoped3A_82 : memref<!tpu.dma_semaphore, #tpu.memory_space<semaphore_mem>>)
        %dma_wait3A = arith.constant 0 : i32
        %dma_wait3A_95 = tpu.memref_slice %arg9[%run_scoped3A_77, %dma_wait3A] : memref<79x128xi32, #tpu.memory_space<vmem>> -> memref<1x128xi32, #tpu.memory_space<vmem>>
        %dma_wait3A_96 = tpu.memref_squeeze %dma_wait3A_95 : memref<1x128xi32, #tpu.memory_space<vmem>> -> memref<128xi32, #tpu.memory_space<vmem>>
        %dma_wait3A_97 = arith.constant 0 : i32
        %dma_wait3A_98 = tpu.memref_slice %arg2[%run_scoped3A_76, %add3A_75, %dma_wait3A_97] : memref<2x2500x128xi32, #tpu.memory_space<hbm>> -> memref<1x1x128xi32, #tpu.memory_space<hbm>>
        %dma_wait3A_99 = tpu.memref_squeeze %dma_wait3A_98 : memref<1x1x128xi32, #tpu.memory_space<hbm>> -> memref<128xi32, #tpu.memory_space<hbm>>
        %dma_wait3A_100 = arith.constant 0 : i32
        %dma_wait3A_101 = tpu.memref_slice %arg9[%run_scoped3A_77, %dma_wait3A_100] : memref<79x128xi32, #tpu.memory_space<vmem>> -> memref<1x128xi32, #tpu.memory_space<vmem>>
        %dma_wait3A_102 = tpu.memref_squeeze %dma_wait3A_101 : memref<1x128xi32, #tpu.memory_space<vmem>> -> memref<128xi32, #tpu.memory_space<vmem>>
        %dma_wait3A_103 = arith.constant 0 : i32
        %dma_wait3A_104 = tpu.memref_slice %arg2[%run_scoped3A_76, %add3A_75, %dma_wait3A_103] : memref<2x2500x128xi32, #tpu.memory_space<hbm>> -> memref<1x1x128xi32, #tpu.memory_space<hbm>>
        %dma_wait3A_105 = tpu.memref_squeeze %dma_wait3A_104 : memref<1x1x128xi32, #tpu.memory_space<hbm>> -> memref<128xi32, #tpu.memory_space<hbm>>
        tpu.wait_dma2 semaphore(%run_scoped3A_82 : memref<!tpu.dma_semaphore, #tpu.memory_space<semaphore_mem>>) src(%dma_wait3A_105 : memref<128xi32, #tpu.memory_space<hbm>>) dst(%dma_wait3A_102 : memref<128xi32, #tpu.memory_space<vmem>>)
        tpu.yield
      }) : () -> ()
      %add3A_78 = arith.constant 78 : i32
      %add3A_79 = arith.addi %add3A_4, %add3A_78 : i32
      %run_scoped3A_80 = arith.constant 1 : i32
      %run_scoped3A_81 = arith.constant 78 : i32
      "tpu.region"() ({
        %run_scoped3A_82 = tpu.sem_alloc : memref<!tpu.dma_semaphore, #tpu.memory_space<semaphore_mem>>
        %dma_start3A_83 = arith.constant 0 : i32
        %dma_start3A_84 = tpu.memref_slice %arg10[%run_scoped3A_81, %dma_start3A_83] : memref<79x128xi32, #tpu.memory_space<vmem>> -> memref<1x128xi32, #tpu.memory_space<vmem>>
        %dma_start3A_85 = tpu.memref_squeeze %dma_start3A_84 : memref<1x128xi32, #tpu.memory_space<vmem>> -> memref<128xi32, #tpu.memory_space<vmem>>
        %dma_start3A_86 = arith.constant 0 : i32
        %dma_start3A_87 = tpu.memref_slice %arg2[%run_scoped3A_80, %add3A_79, %dma_start3A_86] : memref<2x2500x128xi32, #tpu.memory_space<hbm>> -> memref<1x1x128xi32, #tpu.memory_space<hbm>>
        %dma_start3A_88 = tpu.memref_squeeze %dma_start3A_87 : memref<1x1x128xi32, #tpu.memory_space<hbm>> -> memref<128xi32, #tpu.memory_space<hbm>>
        %dma_start3A_89 = arith.constant 0 : i32
        %dma_start3A_90 = tpu.memref_slice %arg10[%run_scoped3A_81, %dma_start3A_89] : memref<79x128xi32, #tpu.memory_space<vmem>> -> memref<1x128xi32, #tpu.memory_space<vmem>>
        %dma_start3A_91 = tpu.memref_squeeze %dma_start3A_90 : memref<1x128xi32, #tpu.memory_space<vmem>> -> memref<128xi32, #tpu.memory_space<vmem>>
        %dma_start3A_92 = arith.constant 0 : i32
        %dma_start3A_93 = tpu.memref_slice %arg2[%run_scoped3A_80, %add3A_79, %dma_start3A_92] : memref<2x2500x128xi32, #tpu.memory_space<hbm>> -> memref<1x1x128xi32, #tpu.memory_space<hbm>>
        %dma_start3A_94 = tpu.memref_squeeze %dma_start3A_93 : memref<1x1x128xi32, #tpu.memory_space<hbm>> -> memref<128xi32, #tpu.memory_space<hbm>>
        tpu.enqueue_dma source(%dma_start3A_94 : memref<128xi32, #tpu.memory_space<hbm>>) target(%dma_start3A_91 : memref<128xi32, #tpu.memory_space<vmem>>) target_semaphore(%run_scoped3A_82 : memref<!tpu.dma_semaphore, #tpu.memory_space<semaphore_mem>>)
        %dma_wait3A = arith.constant 0 : i32
        %dma_wait3A_95 = tpu.memref_slice %arg10[%run_scoped3A_81, %dma_wait3A] : memref<79x128xi32, #tpu.memory_space<vmem>> -> memref<1x128xi32, #tpu.memory_space<vmem>>
        %dma_wait3A_96 = tpu.memref_squeeze %dma_wait3A_95 : memref<1x128xi32, #tpu.memory_space<vmem>> -> memref<128xi32, #tpu.memory_space<vmem>>
        %dma_wait3A_97 = arith.constant 0 : i32
        %dma_wait3A_98 = tpu.memref_slice %arg2[%run_scoped3A_80, %add3A_79, %dma_wait3A_97] : memref<2x2500x128xi32, #tpu.memory_space<hbm>> -> memref<1x1x128xi32, #tpu.memory_space<hbm>>
        %dma_wait3A_99 = tpu.memref_squeeze %dma_wait3A_98 : memref<1x1x128xi32, #tpu.memory_space<hbm>> -> memref<128xi32, #tpu.memory_space<hbm>>
        %dma_wait3A_100 = arith.constant 0 : i32
        %dma_wait3A_101 = tpu.memref_slice %arg10[%run_scoped3A_81, %dma_wait3A_100] : memref<79x128xi32, #tpu.memory_space<vmem>> -> memref<1x128xi32, #tpu.memory_space<vmem>>
        %dma_wait3A_102 = tpu.memref_squeeze %dma_wait3A_101 : memref<1x128xi32, #tpu.memory_space<vmem>> -> memref<128xi32, #tpu.memory_space<vmem>>
        %dma_wait3A_103 = arith.constant 0 : i32
        %dma_wait3A_104 = tpu.memref_slice %arg2[%run_scoped3A_80, %add3A_79, %dma_wait3A_103] : memref<2x2500x128xi32, #tpu.memory_space<hbm>> -> memref<1x1x128xi32, #tpu.memory_space<hbm>>
        %dma_wait3A_105 = tpu.memref_squeeze %dma_wait3A_104 : memref<1x1x128xi32, #tpu.memory_space<hbm>> -> memref<128xi32, #tpu.memory_space<hbm>>
        tpu.wait_dma2 semaphore(%run_scoped3A_82 : memref<!tpu.dma_semaphore, #tpu.memory_space<semaphore_mem>>) src(%dma_wait3A_105 : memref<128xi32, #tpu.memory_space<hbm>>) dst(%dma_wait3A_102 : memref<128xi32, #tpu.memory_space<vmem>>)
        tpu.yield
      }) : () -> ()
    } else {
    }
    %barrier3A = arith.constant 0 : index
    tpu.barrier barrier_id(%barrier3A)
    %dma_start3A = arith.constant 0 : i32
    %dma_start3A_17 = arith.constant 0 : i32
    %dma_start3A_18 = arith.constant 0 : i32
    %dma_start3A_19 = arith.constant 0 : i32
    %dma_start3A_20 = tpu.memref_slice %arg11[%dma_start3A_17, %dma_start3A_18, %dma_start3A_19] : memref<2x128x64xf32, #tpu.memory_space<vmem>> -> memref<1x128x64xf32, #tpu.memory_space<vmem>>
    %dma_start3A_21 = tpu.memref_squeeze %dma_start3A_20 : memref<1x128x64xf32, #tpu.memory_space<vmem>> -> memref<128x64xf32, #tpu.memory_space<vmem>>
    %dma_start3A_22 = arith.constant 0 : i32
    %dma_start3A_23 = tpu.memref_slice %arg9[%dma_start3A, %dma_start3A_22] : memref<79x128xi32, #tpu.memory_space<vmem>> -> memref<1x128xi32, #tpu.memory_space<vmem>>
    %dma_start3A_24 = tpu.memref_squeeze %dma_start3A_23 : memref<1x128xi32, #tpu.memory_space<vmem>> -> memref<128xi32, #tpu.memory_space<vmem>>
    %dma_start3A_25 = arith.constant 0 : i32
    %dma_start3A_26 = arith.constant 0 : i32
    %dma_start3A_27 = tpu.memref_slice %arg3[%dma_start3A_25, %dma_start3A_26] : memref<10240x64xf32, #tpu.memory_space<hbm>> -> memref<10240x64xf32, #tpu.memory_space<hbm>>
    tpu.enqueue_indirect_dma source(%dma_start3A_27 : memref<10240x64xf32, #tpu.memory_space<hbm>>) target(%dma_start3A_21 : memref<128x64xf32, #tpu.memory_space<vmem>>) offsets(%dma_start3A_24 : memref<128xi32, #tpu.memory_space<vmem>>) semaphore(%arg13 : memref<!tpu.dma_semaphore, #tpu.memory_space<semaphore_mem>>)
    %dma_start3A_28 = arith.constant 1 : i32
    %dma_start3A_29 = arith.constant 1 : i32
    %dma_start3A_30 = arith.constant 0 : i32
    %dma_start3A_31 = arith.constant 0 : i32
    %dma_start3A_32 = tpu.memref_slice %arg11[%dma_start3A_29, %dma_start3A_30, %dma_start3A_31] : memref<2x128x64xf32, #tpu.memory_space<vmem>> -> memref<1x128x64xf32, #tpu.memory_space<vmem>>
    %dma_start3A_33 = tpu.memref_squeeze %dma_start3A_32 : memref<1x128x64xf32, #tpu.memory_space<vmem>> -> memref<128x64xf32, #tpu.memory_space<vmem>>
    %dma_start3A_34 = arith.constant 0 : i32
    %dma_start3A_35 = tpu.memref_slice %arg9[%dma_start3A_28, %dma_start3A_34] : memref<79x128xi32, #tpu.memory_space<vmem>> -> memref<1x128xi32, #tpu.memory_space<vmem>>
    %dma_start3A_36 = tpu.memref_squeeze %dma_start3A_35 : memref<1x128xi32, #tpu.memory_space<vmem>> -> memref<128xi32, #tpu.memory_space<vmem>>
    %dma_start3A_37 = arith.constant 0 : i32
    %dma_start3A_38 = arith.constant 0 : i32
    %dma_start3A_39 = tpu.memref_slice %arg3[%dma_start3A_37, %dma_start3A_38] : memref<10240x64xf32, #tpu.memory_space<hbm>> -> memref<10240x64xf32, #tpu.memory_space<hbm>>
    tpu.enqueue_indirect_dma source(%dma_start3A_39 : memref<10240x64xf32, #tpu.memory_space<hbm>>) target(%dma_start3A_33 : memref<128x64xf32, #tpu.memory_space<vmem>>) offsets(%dma_start3A_36 : memref<128xi32, #tpu.memory_space<vmem>>) semaphore(%arg14 : memref<!tpu.dma_semaphore, #tpu.memory_space<semaphore_mem>>)
    %scan3A = arith.constant 0 : i32
    %scan3A_40 = arith.constant 39 : i32
    %scan3A_41 = arith.addi %scan3A, %scan3A_40 : i32
    %scan3A_42 = arith.constant 1 : i32
    scf.for %scan3A_74 = %scan3A to %scan3A_41 step %scan3A_42  : i32 {
      %mul3A_75 = arith.constant 1 : i32
      %mul3A_76 = arith.muli %scan3A_74, %mul3A_75 : i32
      %add3A_77 = arith.constant 0 : i32
      %add3A_78 = arith.addi %add3A_77, %mul3A_76 : i32
      %mul3A_79 = arith.constant 2 : i32
      %mul3A_80 = arith.muli %add3A_78, %mul3A_79 : i32
      %add3A_81 = arith.constant 0 : i32
      %add3A_82 = arith.addi %mul3A_80, %add3A_81 : i32
      %dma_wait3A = arith.constant 0 : i32
      %dma_wait3A_83 = arith.constant 0 : i32
      %dma_wait3A_84 = arith.constant 0 : i32
      %dma_wait3A_85 = tpu.memref_slice %arg11[%dma_wait3A, %dma_wait3A_83, %dma_wait3A_84] : memref<2x128x64xf32, #tpu.memory_space<vmem>> -> memref<1x128x64xf32, #tpu.memory_space<vmem>>
      %dma_wait3A_86 = tpu.memref_squeeze %dma_wait3A_85 : memref<1x128x64xf32, #tpu.memory_space<vmem>> -> memref<128x64xf32, #tpu.memory_space<vmem>>
      %dma_wait3A_87 = arith.constant 0 : i32
      %dma_wait3A_88 = tpu.memref_slice %arg9[%add3A_82, %dma_wait3A_87] : memref<79x128xi32, #tpu.memory_space<vmem>> -> memref<1x128xi32, #tpu.memory_space<vmem>>
      %dma_wait3A_89 = tpu.memref_squeeze %dma_wait3A_88 : memref<1x128xi32, #tpu.memory_space<vmem>> -> memref<128xi32, #tpu.memory_space<vmem>>
      %dma_wait3A_90 = arith.constant 0 : i32
      %dma_wait3A_91 = arith.constant 0 : i32
      %dma_wait3A_92 = tpu.memref_slice %arg3[%dma_wait3A_90, %dma_wait3A_91] : memref<10240x64xf32, #tpu.memory_space<hbm>> -> memref<10240x64xf32, #tpu.memory_space<hbm>>
      tpu.wait_indirect_dma semaphore(%arg13 : memref<!tpu.dma_semaphore, #tpu.memory_space<semaphore_mem>>) src(%dma_wait3A_92 : memref<10240x64xf32, #tpu.memory_space<hbm>>) dst(%dma_wait3A_86 : memref<128x64xf32, #tpu.memory_space<vmem>>)
      %dma_start3A_93 = arith.constant 0 : i32
      %dma_start3A_94 = tpu.memref_slice %arg10[%add3A_82, %dma_start3A_93] : memref<79x128xi32, #tpu.memory_space<vmem>> -> memref<1x128xi32, #tpu.memory_space<vmem>>
      %dma_start3A_95 = tpu.memref_squeeze %dma_start3A_94 : memref<1x128xi32, #tpu.memory_space<vmem>> -> memref<128xi32, #tpu.memory_space<vmem>>
      %dma_start3A_96 = arith.constant 0 : i32
      %dma_start3A_97 = arith.constant 0 : i32
      %dma_start3A_98 = tpu.memref_slice %arg16[%dma_start3A_96, %dma_start3A_97] : memref<10240x16xf32, #tpu.memory_space<vmem_shared>> -> memref<10240x16xf32, #tpu.memory_space<vmem_shared>>
      tpu.enqueue_indirect_dma source(%arg15 : memref<128x16xf32, #tpu.memory_space<vmem>>) target(%dma_start3A_98 : memref<10240x16xf32, #tpu.memory_space<vmem_shared>>) offsets(%dma_start3A_95 : memref<128xi32, #tpu.memory_space<vmem>>) semaphore(%arg17 : memref<!tpu.dma_semaphore, #tpu.memory_space<semaphore_mem>>) {add = true}
      %run_scoped3A_99 = arith.constant 0 : i32
      "tpu.region"() ({
        %run_scoped3A_134 = tpu.sem_alloc : memref<!tpu.dma_semaphore, #tpu.memory_space<semaphore_mem>>
        %dma_start3A_135 = arith.constant 0 : i32
        %dma_start3A_136 = arith.constant 0 : i32
        %dma_start3A_137 = tpu.memref_slice %arg11[%run_scoped3A_99, %dma_start3A_135, %dma_start3A_136] : memref<2x128x64xf32, #tpu.memory_space<vmem>> -> memref<1x128x64xf32, #tpu.memory_space<vmem>>
        %dma_start3A_138 = tpu.memref_squeeze %dma_start3A_137 : memref<1x128x64xf32, #tpu.memory_space<vmem>> -> memref<128x64xf32, #tpu.memory_space<vmem>>
        %dma_start3A_139 = arith.constant 0 : i32
        %dma_start3A_140 = tpu.memref_slice %arg10[%add3A_82, %dma_start3A_139] : memref<79x128xi32, #tpu.memory_space<vmem>> -> memref<1x128xi32, #tpu.memory_space<vmem>>
        %dma_start3A_141 = tpu.memref_squeeze %dma_start3A_140 : memref<1x128xi32, #tpu.memory_space<vmem>> -> memref<128xi32, #tpu.memory_space<vmem>>
        %dma_start3A_142 = arith.constant 0 : i32
        %dma_start3A_143 = arith.constant 0 : i32
        %dma_start3A_144 = tpu.memref_slice %arg12[%dma_start3A_142, %dma_start3A_143] : memref<10240x64xf32, #tpu.memory_space<vmem_shared>> -> memref<10240x64xf32, #tpu.memory_space<vmem_shared>>
        tpu.enqueue_indirect_dma source(%dma_start3A_138 : memref<128x64xf32, #tpu.memory_space<vmem>>) target(%dma_start3A_144 : memref<10240x64xf32, #tpu.memory_space<vmem_shared>>) offsets(%dma_start3A_141 : memref<128xi32, #tpu.memory_space<vmem>>) semaphore(%run_scoped3A_134 : memref<!tpu.dma_semaphore, #tpu.memory_space<semaphore_mem>>) {add = true}
        %dma_wait3A_145 = arith.constant 0 : i32
        %dma_wait3A_146 = arith.constant 0 : i32
        %dma_wait3A_147 = tpu.memref_slice %arg11[%run_scoped3A_99, %dma_wait3A_145, %dma_wait3A_146] : memref<2x128x64xf32, #tpu.memory_space<vmem>> -> memref<1x128x64xf32, #tpu.memory_space<vmem>>
        %dma_wait3A_148 = tpu.memref_squeeze %dma_wait3A_147 : memref<1x128x64xf32, #tpu.memory_space<vmem>> -> memref<128x64xf32, #tpu.memory_space<vmem>>
        %dma_wait3A_149 = arith.constant 0 : i32
        %dma_wait3A_150 = tpu.memref_slice %arg10[%add3A_82, %dma_wait3A_149] : memref<79x128xi32, #tpu.memory_space<vmem>> -> memref<1x128xi32, #tpu.memory_space<vmem>>
        %dma_wait3A_151 = tpu.memref_squeeze %dma_wait3A_150 : memref<1x128xi32, #tpu.memory_space<vmem>> -> memref<128xi32, #tpu.memory_space<vmem>>
        %dma_wait3A_152 = arith.constant 0 : i32
        %dma_wait3A_153 = arith.constant 0 : i32
        %dma_wait3A_154 = tpu.memref_slice %arg12[%dma_wait3A_152, %dma_wait3A_153] : memref<10240x64xf32, #tpu.memory_space<vmem_shared>> -> memref<10240x64xf32, #tpu.memory_space<vmem_shared>>
        tpu.wait_indirect_dma semaphore(%run_scoped3A_134 : memref<!tpu.dma_semaphore, #tpu.memory_space<semaphore_mem>>) src(%dma_wait3A_148 : memref<128x64xf32, #tpu.memory_space<vmem>>) dst(%dma_wait3A_154 : memref<10240x64xf32, #tpu.memory_space<vmem_shared>>)
        tpu.yield
      }) : () -> ()
      %add3A_100 = arith.constant 2 : i32
      %add3A_101 = arith.addi %add3A_82, %add3A_100 : i32
      %lt3A_102 = arith.cmpi slt, %add3A_101, %add3A_7 : i32
      %convert_element_type3A_103 = arith.extui %lt3A_102 : i1 to i32
      %cond3A_104 = arith.constant 0 : i32
      %cond3A_105 = arith.cmpi ne, %convert_element_type3A_103, %cond3A_104 : i32
      scf.if %cond3A_105 {
        %add3A_134 = arith.constant 2 : i32
        %add3A_135 = arith.addi %add3A_82, %add3A_134 : i32
        %dma_start3A_136 = arith.constant 0 : i32
        %dma_start3A_137 = arith.constant 0 : i32
        %dma_start3A_138 = arith.constant 0 : i32
        %dma_start3A_139 = tpu.memref_slice %arg11[%dma_start3A_136, %dma_start3A_137, %dma_start3A_138] : memref<2x128x64xf32, #tpu.memory_space<vmem>> -> memref<1x128x64xf32, #tpu.memory_space<vmem>>
        %dma_start3A_140 = tpu.memref_squeeze %dma_start3A_139 : memref<1x128x64xf32, #tpu.memory_space<vmem>> -> memref<128x64xf32, #tpu.memory_space<vmem>>
        %dma_start3A_141 = arith.constant 0 : i32
        %dma_start3A_142 = tpu.memref_slice %arg9[%add3A_135, %dma_start3A_141] : memref<79x128xi32, #tpu.memory_space<vmem>> -> memref<1x128xi32, #tpu.memory_space<vmem>>
        %dma_start3A_143 = tpu.memref_squeeze %dma_start3A_142 : memref<1x128xi32, #tpu.memory_space<vmem>> -> memref<128xi32, #tpu.memory_space<vmem>>
        %dma_start3A_144 = arith.constant 0 : i32
        %dma_start3A_145 = arith.constant 0 : i32
        %dma_start3A_146 = tpu.memref_slice %arg3[%dma_start3A_144, %dma_start3A_145] : memref<10240x64xf32, #tpu.memory_space<hbm>> -> memref<10240x64xf32, #tpu.memory_space<hbm>>
        tpu.enqueue_indirect_dma source(%dma_start3A_146 : memref<10240x64xf32, #tpu.memory_space<hbm>>) target(%dma_start3A_140 : memref<128x64xf32, #tpu.memory_space<vmem>>) offsets(%dma_start3A_143 : memref<128xi32, #tpu.memory_space<vmem>>) semaphore(%arg13 : memref<!tpu.dma_semaphore, #tpu.memory_space<semaphore_mem>>)
      } else {
      }
      %mul3A_106 = arith.constant 2 : i32
      %mul3A_107 = arith.muli %add3A_78, %mul3A_106 : i32
      %add3A_108 = arith.constant 1 : i32
      %add3A_109 = arith.addi %mul3A_107, %add3A_108 : i32
      %dma_wait3A_110 = arith.constant 1 : i32
      %dma_wait3A_111 = arith.constant 0 : i32
      %dma_wait3A_112 = arith.constant 0 : i32
      %dma_wait3A_113 = tpu.memref_slice %arg11[%dma_wait3A_110, %dma_wait3A_111, %dma_wait3A_112] : memref<2x128x64xf32, #tpu.memory_space<vmem>> -> memref<1x128x64xf32, #tpu.memory_space<vmem>>
      %dma_wait3A_114 = tpu.memref_squeeze %dma_wait3A_113 : memref<1x128x64xf32, #tpu.memory_space<vmem>> -> memref<128x64xf32, #tpu.memory_space<vmem>>
      %dma_wait3A_115 = arith.constant 0 : i32
      %dma_wait3A_116 = tpu.memref_slice %arg9[%add3A_109, %dma_wait3A_115] : memref<79x128xi32, #tpu.memory_space<vmem>> -> memref<1x128xi32, #tpu.memory_space<vmem>>
      %dma_wait3A_117 = tpu.memref_squeeze %dma_wait3A_116 : memref<1x128xi32, #tpu.memory_space<vmem>> -> memref<128xi32, #tpu.memory_space<vmem>>
      %dma_wait3A_118 = arith.constant 0 : i32
      %dma_wait3A_119 = arith.constant 0 : i32
      %dma_wait3A_120 = tpu.memref_slice %arg3[%dma_wait3A_118, %dma_wait3A_119] : memref<10240x64xf32, #tpu.memory_space<hbm>> -> memref<10240x64xf32, #tpu.memory_space<hbm>>
      tpu.wait_indirect_dma semaphore(%arg14 : memref<!tpu.dma_semaphore, #tpu.memory_space<semaphore_mem>>) src(%dma_wait3A_120 : memref<10240x64xf32, #tpu.memory_space<hbm>>) dst(%dma_wait3A_114 : memref<128x64xf32, #tpu.memory_space<vmem>>)
      %dma_start3A_121 = arith.constant 0 : i32
      %dma_start3A_122 = tpu.memref_slice %arg10[%add3A_109, %dma_start3A_121] : memref<79x128xi32, #tpu.memory_space<vmem>> -> memref<1x128xi32, #tpu.memory_space<vmem>>
      %dma_start3A_123 = tpu.memref_squeeze %dma_start3A_122 : memref<1x128xi32, #tpu.memory_space<vmem>> -> memref<128xi32, #tpu.memory_space<vmem>>
      %dma_start3A_124 = arith.constant 0 : i32
      %dma_start3A_125 = arith.constant 0 : i32
      %dma_start3A_126 = tpu.memref_slice %arg16[%dma_start3A_124, %dma_start3A_125] : memref<10240x16xf32, #tpu.memory_space<vmem_shared>> -> memref<10240x16xf32, #tpu.memory_space<vmem_shared>>
      tpu.enqueue_indirect_dma source(%arg15 : memref<128x16xf32, #tpu.memory_space<vmem>>) target(%dma_start3A_126 : memref<10240x16xf32, #tpu.memory_space<vmem_shared>>) offsets(%dma_start3A_123 : memref<128xi32, #tpu.memory_space<vmem>>) semaphore(%arg17 : memref<!tpu.dma_semaphore, #tpu.memory_space<semaphore_mem>>) {add = true}
      %run_scoped3A_127 = arith.constant 1 : i32
      "tpu.region"() ({
        %run_scoped3A_134 = tpu.sem_alloc : memref<!tpu.dma_semaphore, #tpu.memory_space<semaphore_mem>>
        %dma_start3A_135 = arith.constant 0 : i32
        %dma_start3A_136 = arith.constant 0 : i32
        %dma_start3A_137 = tpu.memref_slice %arg11[%run_scoped3A_127, %dma_start3A_135, %dma_start3A_136] : memref<2x128x64xf32, #tpu.memory_space<vmem>> -> memref<1x128x64xf32, #tpu.memory_space<vmem>>
        %dma_start3A_138 = tpu.memref_squeeze %dma_start3A_137 : memref<1x128x64xf32, #tpu.memory_space<vmem>> -> memref<128x64xf32, #tpu.memory_space<vmem>>
        %dma_start3A_139 = arith.constant 0 : i32
        %dma_start3A_140 = tpu.memref_slice %arg10[%add3A_109, %dma_start3A_139] : memref<79x128xi32, #tpu.memory_space<vmem>> -> memref<1x128xi32, #tpu.memory_space<vmem>>
        %dma_start3A_141 = tpu.memref_squeeze %dma_start3A_140 : memref<1x128xi32, #tpu.memory_space<vmem>> -> memref<128xi32, #tpu.memory_space<vmem>>
        %dma_start3A_142 = arith.constant 0 : i32
        %dma_start3A_143 = arith.constant 0 : i32
        %dma_start3A_144 = tpu.memref_slice %arg12[%dma_start3A_142, %dma_start3A_143] : memref<10240x64xf32, #tpu.memory_space<vmem_shared>> -> memref<10240x64xf32, #tpu.memory_space<vmem_shared>>
        tpu.enqueue_indirect_dma source(%dma_start3A_138 : memref<128x64xf32, #tpu.memory_space<vmem>>) target(%dma_start3A_144 : memref<10240x64xf32, #tpu.memory_space<vmem_shared>>) offsets(%dma_start3A_141 : memref<128xi32, #tpu.memory_space<vmem>>) semaphore(%run_scoped3A_134 : memref<!tpu.dma_semaphore, #tpu.memory_space<semaphore_mem>>) {add = true}
        %dma_wait3A_145 = arith.constant 0 : i32
        %dma_wait3A_146 = arith.constant 0 : i32
        %dma_wait3A_147 = tpu.memref_slice %arg11[%run_scoped3A_127, %dma_wait3A_145, %dma_wait3A_146] : memref<2x128x64xf32, #tpu.memory_space<vmem>> -> memref<1x128x64xf32, #tpu.memory_space<vmem>>
        %dma_wait3A_148 = tpu.memref_squeeze %dma_wait3A_147 : memref<1x128x64xf32, #tpu.memory_space<vmem>> -> memref<128x64xf32, #tpu.memory_space<vmem>>
        %dma_wait3A_149 = arith.constant 0 : i32
        %dma_wait3A_150 = tpu.memref_slice %arg10[%add3A_109, %dma_wait3A_149] : memref<79x128xi32, #tpu.memory_space<vmem>> -> memref<1x128xi32, #tpu.memory_space<vmem>>
        %dma_wait3A_151 = tpu.memref_squeeze %dma_wait3A_150 : memref<1x128xi32, #tpu.memory_space<vmem>> -> memref<128xi32, #tpu.memory_space<vmem>>
        %dma_wait3A_152 = arith.constant 0 : i32
        %dma_wait3A_153 = arith.constant 0 : i32
        %dma_wait3A_154 = tpu.memref_slice %arg12[%dma_wait3A_152, %dma_wait3A_153] : memref<10240x64xf32, #tpu.memory_space<vmem_shared>> -> memref<10240x64xf32, #tpu.memory_space<vmem_shared>>
        tpu.wait_indirect_dma semaphore(%run_scoped3A_134 : memref<!tpu.dma_semaphore, #tpu.memory_space<semaphore_mem>>) src(%dma_wait3A_148 : memref<128x64xf32, #tpu.memory_space<vmem>>) dst(%dma_wait3A_154 : memref<10240x64xf32, #tpu.memory_space<vmem_shared>>)
        tpu.yield
      }) : () -> ()
      %add3A_128 = arith.constant 2 : i32
      %add3A_129 = arith.addi %add3A_109, %add3A_128 : i32
      %lt3A_130 = arith.cmpi slt, %add3A_129, %add3A_7 : i32
      %convert_element_type3A_131 = arith.extui %lt3A_130 : i1 to i32
      %cond3A_132 = arith.constant 0 : i32
      %cond3A_133 = arith.cmpi ne, %convert_element_type3A_131, %cond3A_132 : i32
      scf.if %cond3A_133 {
        %add3A_134 = arith.constant 2 : i32
        %add3A_135 = arith.addi %add3A_109, %add3A_134 : i32
        %dma_start3A_136 = arith.constant 1 : i32
        %dma_start3A_137 = arith.constant 0 : i32
        %dma_start3A_138 = arith.constant 0 : i32
        %dma_start3A_139 = tpu.memref_slice %arg11[%dma_start3A_136, %dma_start3A_137, %dma_start3A_138] : memref<2x128x64xf32, #tpu.memory_space<vmem>> -> memref<1x128x64xf32, #tpu.memory_space<vmem>>
        %dma_start3A_140 = tpu.memref_squeeze %dma_start3A_139 : memref<1x128x64xf32, #tpu.memory_space<vmem>> -> memref<128x64xf32, #tpu.memory_space<vmem>>
        %dma_start3A_141 = arith.constant 0 : i32
        %dma_start3A_142 = tpu.memref_slice %arg9[%add3A_135, %dma_start3A_141] : memref<79x128xi32, #tpu.memory_space<vmem>> -> memref<1x128xi32, #tpu.memory_space<vmem>>
        %dma_start3A_143 = tpu.memref_squeeze %dma_start3A_142 : memref<1x128xi32, #tpu.memory_space<vmem>> -> memref<128xi32, #tpu.memory_space<vmem>>
        %dma_start3A_144 = arith.constant 0 : i32
        %dma_start3A_145 = arith.constant 0 : i32
        %dma_start3A_146 = tpu.memref_slice %arg3[%dma_start3A_144, %dma_start3A_145] : memref<10240x64xf32, #tpu.memory_space<hbm>> -> memref<10240x64xf32, #tpu.memory_space<hbm>>
        tpu.enqueue_indirect_dma source(%dma_start3A_146 : memref<10240x64xf32, #tpu.memory_space<hbm>>) target(%dma_start3A_140 : memref<128x64xf32, #tpu.memory_space<vmem>>) offsets(%dma_start3A_143 : memref<128xi32, #tpu.memory_space<vmem>>) semaphore(%arg14 : memref<!tpu.dma_semaphore, #tpu.memory_space<semaphore_mem>>)
      } else {
      }
    }
    %scan3A_43 = arith.constant 39 : i32
    %lt3A_44 = arith.constant 4 : i32
    %lt3A_45 = arith.cmpi slt, %add3A, %lt3A_44 : i32
    %convert_element_type3A_46 = arith.extui %lt3A_45 : i1 to i32
    %cond3A_47 = arith.constant 0 : i32
    %cond3A_48 = arith.cmpi ne, %convert_element_type3A_46, %cond3A_47 : i32
    scf.if %cond3A_48 {
      %dma_wait3A = arith.constant 78 : i32
      %dma_wait3A_74 = arith.constant 0 : i32
      %dma_wait3A_75 = arith.constant 0 : i32
      %dma_wait3A_76 = arith.constant 0 : i32
      %dma_wait3A_77 = tpu.memref_slice %arg11[%dma_wait3A_74, %dma_wait3A_75, %dma_wait3A_76] : memref<2x128x64xf32, #tpu.memory_space<vmem>> -> memref<1x128x64xf32, #tpu.memory_space<vmem>>
      %dma_wait3A_78 = tpu.memref_squeeze %dma_wait3A_77 : memref<1x128x64xf32, #tpu.memory_space<vmem>> -> memref<128x64xf32, #tpu.memory_space<vmem>>
      %dma_wait3A_79 = arith.constant 0 : i32
      %dma_wait3A_80 = tpu.memref_slice %arg9[%dma_wait3A, %dma_wait3A_79] : memref<79x128xi32, #tpu.memory_space<vmem>> -> memref<1x128xi32, #tpu.memory_space<vmem>>
      %dma_wait3A_81 = tpu.memref_squeeze %dma_wait3A_80 : memref<1x128xi32, #tpu.memory_space<vmem>> -> memref<128xi32, #tpu.memory_space<vmem>>
      %dma_wait3A_82 = arith.constant 0 : i32
      %dma_wait3A_83 = arith.constant 0 : i32
      %dma_wait3A_84 = tpu.memref_slice %arg3[%dma_wait3A_82, %dma_wait3A_83] : memref<10240x64xf32, #tpu.memory_space<hbm>> -> memref<10240x64xf32, #tpu.memory_space<hbm>>
      tpu.wait_indirect_dma semaphore(%arg13 : memref<!tpu.dma_semaphore, #tpu.memory_space<semaphore_mem>>) src(%dma_wait3A_84 : memref<10240x64xf32, #tpu.memory_space<hbm>>) dst(%dma_wait3A_78 : memref<128x64xf32, #tpu.memory_space<vmem>>)
      %dma_start3A_85 = arith.constant 78 : i32
      %dma_start3A_86 = arith.constant 0 : i32
      %dma_start3A_87 = tpu.memref_slice %arg10[%dma_start3A_85, %dma_start3A_86] : memref<79x128xi32, #tpu.memory_space<vmem>> -> memref<1x128xi32, #tpu.memory_space<vmem>>
      %dma_start3A_88 = tpu.memref_squeeze %dma_start3A_87 : memref<1x128xi32, #tpu.memory_space<vmem>> -> memref<128xi32, #tpu.memory_space<vmem>>
      %dma_start3A_89 = arith.constant 0 : i32
      %dma_start3A_90 = arith.constant 0 : i32
      %dma_start3A_91 = tpu.memref_slice %arg16[%dma_start3A_89, %dma_start3A_90] : memref<10240x16xf32, #tpu.memory_space<vmem_shared>> -> memref<10240x16xf32, #tpu.memory_space<vmem_shared>>
      tpu.enqueue_indirect_dma source(%arg15 : memref<128x16xf32, #tpu.memory_space<vmem>>) target(%dma_start3A_91 : memref<10240x16xf32, #tpu.memory_space<vmem_shared>>) offsets(%dma_start3A_88 : memref<128xi32, #tpu.memory_space<vmem>>) semaphore(%arg17 : memref<!tpu.dma_semaphore, #tpu.memory_space<semaphore_mem>>) {add = true}
      %run_scoped3A_92 = arith.constant 0 : i32
      %run_scoped3A_93 = arith.constant 78 : i32
      "tpu.region"() ({
        %run_scoped3A_94 = tpu.sem_alloc : memref<!tpu.dma_semaphore, #tpu.memory_space<semaphore_mem>>
        %dma_start3A_95 = arith.constant 0 : i32
        %dma_start3A_96 = arith.constant 0 : i32
        %dma_start3A_97 = tpu.memref_slice %arg11[%run_scoped3A_92, %dma_start3A_95, %dma_start3A_96] : memref<2x128x64xf32, #tpu.memory_space<vmem>> -> memref<1x128x64xf32, #tpu.memory_space<vmem>>
        %dma_start3A_98 = tpu.memref_squeeze %dma_start3A_97 : memref<1x128x64xf32, #tpu.memory_space<vmem>> -> memref<128x64xf32, #tpu.memory_space<vmem>>
        %dma_start3A_99 = arith.constant 0 : i32
        %dma_start3A_100 = tpu.memref_slice %arg10[%run_scoped3A_93, %dma_start3A_99] : memref<79x128xi32, #tpu.memory_space<vmem>> -> memref<1x128xi32, #tpu.memory_space<vmem>>
        %dma_start3A_101 = tpu.memref_squeeze %dma_start3A_100 : memref<1x128xi32, #tpu.memory_space<vmem>> -> memref<128xi32, #tpu.memory_space<vmem>>
        %dma_start3A_102 = arith.constant 0 : i32
        %dma_start3A_103 = arith.constant 0 : i32
        %dma_start3A_104 = tpu.memref_slice %arg12[%dma_start3A_102, %dma_start3A_103] : memref<10240x64xf32, #tpu.memory_space<vmem_shared>> -> memref<10240x64xf32, #tpu.memory_space<vmem_shared>>
        tpu.enqueue_indirect_dma source(%dma_start3A_98 : memref<128x64xf32, #tpu.memory_space<vmem>>) target(%dma_start3A_104 : memref<10240x64xf32, #tpu.memory_space<vmem_shared>>) offsets(%dma_start3A_101 : memref<128xi32, #tpu.memory_space<vmem>>) semaphore(%run_scoped3A_94 : memref<!tpu.dma_semaphore, #tpu.memory_space<semaphore_mem>>) {add = true}
        %dma_wait3A_105 = arith.constant 0 : i32
        %dma_wait3A_106 = arith.constant 0 : i32
        %dma_wait3A_107 = tpu.memref_slice %arg11[%run_scoped3A_92, %dma_wait3A_105, %dma_wait3A_106] : memref<2x128x64xf32, #tpu.memory_space<vmem>> -> memref<1x128x64xf32, #tpu.memory_space<vmem>>
        %dma_wait3A_108 = tpu.memref_squeeze %dma_wait3A_107 : memref<1x128x64xf32, #tpu.memory_space<vmem>> -> memref<128x64xf32, #tpu.memory_space<vmem>>
        %dma_wait3A_109 = arith.constant 0 : i32
        %dma_wait3A_110 = tpu.memref_slice %arg10[%run_scoped3A_93, %dma_wait3A_109] : memref<79x128xi32, #tpu.memory_space<vmem>> -> memref<1x128xi32, #tpu.memory_space<vmem>>
        %dma_wait3A_111 = tpu.memref_squeeze %dma_wait3A_110 : memref<1x128xi32, #tpu.memory_space<vmem>> -> memref<128xi32, #tpu.memory_space<vmem>>
        %dma_wait3A_112 = arith.constant 0 : i32
        %dma_wait3A_113 = arith.constant 0 : i32
        %dma_wait3A_114 = tpu.memref_slice %arg12[%dma_wait3A_112, %dma_wait3A_113] : memref<10240x64xf32, #tpu.memory_space<vmem_shared>> -> memref<10240x64xf32, #tpu.memory_space<vmem_shared>>
        tpu.wait_indirect_dma semaphore(%run_scoped3A_94 : memref<!tpu.dma_semaphore, #tpu.memory_space<semaphore_mem>>) src(%dma_wait3A_108 : memref<128x64xf32, #tpu.memory_space<vmem>>) dst(%dma_wait3A_114 : memref<10240x64xf32, #tpu.memory_space<vmem_shared>>)
        tpu.yield
      }) : () -> ()
    } else {
    }
    %sub3A = arith.constant 0 : i32
    %sub3A_49 = arith.subi %add3A_7, %sub3A : i32
    %sub3A_50 = arith.constant 1 : i32
    %sub3A_51 = arith.constant 1 : i32
    %sub3A_52 = arith.subi %sub3A_50, %sub3A_51 : i32
    %add3A_53 = arith.addi %sub3A_49, %sub3A_52 : i32
    %div3A = arith.constant 1 : i32
    %div3A_54 = arith.divsi %add3A_53, %div3A : i32
    %while3A = arith.constant 1 : i32
    %while3A_55 = arith.constant 0 : i32
    %while3A_56 = arith.constant 0 : i32
    %while3A_57 = arith.subi %div3A_54, %while3A_56 : i32
    %while3A_58 = arith.addi %while3A_56, %while3A_57 : i32
    %while3A_59 = arith.constant 1 : i32
    %while3A_60 = arith.divsi %while3A_57, %while3A_59 : i32
    %while3A_61 = arith.muli %while3A_60, %while3A_59 : i32
    %while3A_62 = arith.addi %while3A_56, %while3A_61 : i32
    %while3A_63 = arith.constant 1 : i32
    scf.for %while3A_74 = %while3A_56 to %while3A_62 step %while3A_63  : i32 {
      %mul3A_75 = arith.muli %while3A_74, %while3A : i32
      %add3A_76 = arith.addi %while3A_55, %mul3A_75 : i32
      %dma_wait3A = arith.constant 0 : i32
      %dma_wait3A_77 = arith.constant 0 : i32
      %dma_wait3A_78 = tpu.memref_slice %arg10[%dma_wait3A, %dma_wait3A_77] : memref<79x128xi32, #tpu.memory_space<vmem>> -> memref<1x128xi32, #tpu.memory_space<vmem>>
      %dma_wait3A_79 = tpu.memref_squeeze %dma_wait3A_78 : memref<1x128xi32, #tpu.memory_space<vmem>> -> memref<128xi32, #tpu.memory_space<vmem>>
      %dma_wait3A_80 = arith.constant 0 : i32
      %dma_wait3A_81 = arith.constant 0 : i32
      %dma_wait3A_82 = tpu.memref_slice %arg16[%dma_wait3A_80, %dma_wait3A_81] : memref<10240x16xf32, #tpu.memory_space<vmem_shared>> -> memref<10240x16xf32, #tpu.memory_space<vmem_shared>>
      tpu.wait_indirect_dma semaphore(%arg17 : memref<!tpu.dma_semaphore, #tpu.memory_space<semaphore_mem>>) src(%arg15 : memref<128x16xf32, #tpu.memory_space<vmem>>) dst(%dma_wait3A_82 : memref<10240x16xf32, #tpu.memory_space<vmem_shared>>)
    }
    %while3A_64 = arith.constant 1 : i32
    scf.for %while3A_74 = %while3A_62 to %while3A_58 step %while3A_64  : i32 {
      %mul3A_75 = arith.muli %while3A_74, %while3A : i32
      %add3A_76 = arith.addi %while3A_55, %mul3A_75 : i32
      %dma_wait3A = arith.constant 0 : i32
      %dma_wait3A_77 = arith.constant 0 : i32
      %dma_wait3A_78 = tpu.memref_slice %arg10[%dma_wait3A, %dma_wait3A_77] : memref<79x128xi32, #tpu.memory_space<vmem>> -> memref<1x128xi32, #tpu.memory_space<vmem>>
      %dma_wait3A_79 = tpu.memref_squeeze %dma_wait3A_78 : memref<1x128xi32, #tpu.memory_space<vmem>> -> memref<128xi32, #tpu.memory_space<vmem>>
      %dma_wait3A_80 = arith.constant 0 : i32
      %dma_wait3A_81 = arith.constant 0 : i32
      %dma_wait3A_82 = tpu.memref_slice %arg16[%dma_wait3A_80, %dma_wait3A_81] : memref<10240x16xf32, #tpu.memory_space<vmem_shared>> -> memref<10240x16xf32, #tpu.memory_space<vmem_shared>>
      tpu.wait_indirect_dma semaphore(%arg17 : memref<!tpu.dma_semaphore, #tpu.memory_space<semaphore_mem>>) src(%arg15 : memref<128x16xf32, #tpu.memory_space<vmem>>) dst(%dma_wait3A_82 : memref<10240x16xf32, #tpu.memory_space<vmem_shared>>)
    }
    %barrier3A_65 = arith.constant 0 : index
    tpu.barrier barrier_id(%barrier3A_65)
    %mul3A_66 = arith.constant 640 : i32
    %mul3A_67 = arith.muli %arg1, %mul3A_66 : i32
    %mul3A_68 = arith.constant 640 : i32
    %mul3A_69 = arith.muli %arg1, %mul3A_68 : i32
    "tpu.region"() ({
      %run_scoped3A_74 = tpu.sem_alloc : memref<!tpu.dma_semaphore, #tpu.memory_space<semaphore_mem>>
      %dma_start3A_75 = arith.constant 0 : i32
      %dma_start3A_76 = tpu.memref_slice %arg7[%arg0, %mul3A_69, %dma_start3A_75] : memref<2x10240x64xf32, #tpu.memory_space<hbm>> -> memref<1x640x64xf32, #tpu.memory_space<hbm>>
      %dma_start3A_77 = tpu.memref_squeeze %dma_start3A_76 : memref<1x640x64xf32, #tpu.memory_space<hbm>> -> memref<640x64xf32, #tpu.memory_space<hbm>>
      %dma_start3A_78 = arith.constant 0 : i32
      %dma_start3A_79 = tpu.memref_slice %arg12[%mul3A_67, %dma_start3A_78] : memref<10240x64xf32, #tpu.memory_space<vmem_shared>> -> memref<640x64xf32, #tpu.memory_space<vmem_shared>>
      tpu.enqueue_dma source(%dma_start3A_79 : memref<640x64xf32, #tpu.memory_space<vmem_shared>>) target(%dma_start3A_77 : memref<640x64xf32, #tpu.memory_space<hbm>>) target_semaphore(%run_scoped3A_74 : memref<!tpu.dma_semaphore, #tpu.memory_space<semaphore_mem>>)
      %dma_wait3A = arith.constant 0 : i32
      %dma_wait3A_80 = tpu.memref_slice %arg7[%arg0, %mul3A_69, %dma_wait3A] : memref<2x10240x64xf32, #tpu.memory_space<hbm>> -> memref<1x640x64xf32, #tpu.memory_space<hbm>>
      %dma_wait3A_81 = tpu.memref_squeeze %dma_wait3A_80 : memref<1x640x64xf32, #tpu.memory_space<hbm>> -> memref<640x64xf32, #tpu.memory_space<hbm>>
      %dma_wait3A_82 = arith.constant 0 : i32
      %dma_wait3A_83 = tpu.memref_slice %arg12[%mul3A_67, %dma_wait3A_82] : memref<10240x64xf32, #tpu.memory_space<vmem_shared>> -> memref<640x64xf32, #tpu.memory_space<vmem_shared>>
      tpu.wait_dma2 semaphore(%run_scoped3A_74 : memref<!tpu.dma_semaphore, #tpu.memory_space<semaphore_mem>>) src(%dma_wait3A_83 : memref<640x64xf32, #tpu.memory_space<vmem_shared>>) dst(%dma_wait3A_81 : memref<640x64xf32, #tpu.memory_space<hbm>>)
      tpu.yield
    }) : () -> ()
    %mul3A_70 = arith.constant 640 : i32
    %mul3A_71 = arith.muli %arg1, %mul3A_70 : i32
    %mul3A_72 = arith.constant 640 : i32
    %mul3A_73 = arith.muli %arg1, %mul3A_72 : i32
    "tpu.region"() ({
      %run_scoped3A_74 = tpu.sem_alloc : memref<!tpu.dma_semaphore, #tpu.memory_space<semaphore_mem>>
      %dma_start3A_75 = arith.constant 0 : i32
      %dma_start3A_76 = tpu.memref_slice %arg8[%arg0, %mul3A_73, %dma_start3A_75] : memref<2x10240x16xf32, #tpu.memory_space<hbm>> -> memref<1x640x16xf32, #tpu.memory_space<hbm>>
      %dma_start3A_77 = tpu.memref_squeeze %dma_start3A_76 : memref<1x640x16xf32, #tpu.memory_space<hbm>> -> memref<640x16xf32, #tpu.memory_space<hbm>>
      %dma_start3A_78 = arith.constant 0 : i32
      %dma_start3A_79 = tpu.memref_slice %arg16[%mul3A_71, %dma_start3A_78] : memref<10240x16xf32, #tpu.memory_space<vmem_shared>> -> memref<640x16xf32, #tpu.memory_space<vmem_shared>>
      tpu.enqueue_dma source(%dma_start3A_79 : memref<640x16xf32, #tpu.memory_space<vmem_shared>>) target(%dma_start3A_77 : memref<640x16xf32, #tpu.memory_space<hbm>>) target_semaphore(%run_scoped3A_74 : memref<!tpu.dma_semaphore, #tpu.memory_space<semaphore_mem>>)
      %dma_wait3A = arith.constant 0 : i32
      %dma_wait3A_80 = tpu.memref_slice %arg8[%arg0, %mul3A_73, %dma_wait3A] : memref<2x10240x16xf32, #tpu.memory_space<hbm>> -> memref<1x640x16xf32, #tpu.memory_space<hbm>>
      %dma_wait3A_81 = tpu.memref_squeeze %dma_wait3A_80 : memref<1x640x16xf32, #tpu.memory_space<hbm>> -> memref<640x16xf32, #tpu.memory_space<hbm>>
      %dma_wait3A_82 = arith.constant 0 : i32
      %dma_wait3A_83 = tpu.memref_slice %arg16[%mul3A_71, %dma_wait3A_82] : memref<10240x16xf32, #tpu.memory_space<vmem_shared>> -> memref<640x16xf32, #tpu.memory_space<vmem_shared>>
      tpu.wait_dma2 semaphore(%run_scoped3A_74 : memref<!tpu.dma_semaphore, #tpu.memory_space<semaphore_mem>>) src(%dma_wait3A_83 : memref<640x16xf32, #tpu.memory_space<vmem_shared>>) dst(%dma_wait3A_81 : memref<640x16xf32, #tpu.memory_space<hbm>>)
      tpu.yield
    }) : () -> ()
    return
  }
}

#map = affine_map<(d0, d1) -> (0, 0, 0)>
#map1 = affine_map<(d0, d1) -> (0, 0)>
module attributes {stable_mosaic.version = 14 : i64} {
  func.func @body(%arg0: i32, %arg1: i32, %arg2: memref<2x2500x128xi32, #tpu.memory_space<hbm>>, %arg3: memref<10240x32xf32, #tpu.memory_space<hbm>>, %arg4: memref<640x32xf32, #tpu.memory_space<hbm>>, %arg5: memref<640x16xf32, #tpu.memory_space<hbm>>, %arg6: memref<128x16xf32, #tpu.memory_space<hbm>>, %arg7: memref<2x10240x32xf32, #tpu.memory_space<hbm>>, %arg8: memref<79x128xi32, #tpu.memory_space<vmem>>, %arg9: memref<79x128xi32, #tpu.memory_space<vmem>>, %arg10: memref<2x128x32xf32, #tpu.memory_space<vmem>>, %arg11: memref<10240x32xf32, #tpu.memory_space<vmem_shared>>, %arg12: memref<!tpu.dma_semaphore, #tpu.memory_space<semaphore_mem>>, %arg13: memref<!tpu.dma_semaphore, #tpu.memory_space<semaphore_mem>>) attributes {dimension_semantics = [#tpu.dimension_semantics<core_parallel>, #tpu.dimension_semantics<subcore_parallel>], iteration_bounds = array<i64: 2, 16>, scalar_prefetch = 0 : i64, scratch_operands = 6 : i64, tpu.core_type = #tpu.core_type<sc_vector_subcore>, window_params = [{transform_indices = #map}, {transform_indices = #map1}, {transform_indices = #map1}, {transform_indices = #map1}, {transform_indices = #map1}, {transform_indices = #map}]} {
    %mul3A = arith.constant 2 : i32
    %mul3A_0 = arith.muli %arg1, %mul3A : i32
    %add3A = arith.addi %mul3A_0, %arg0 : i32
    %mul3A_1 = arith.constant 78 : i32
    %mul3A_2 = arith.muli %mul3A_1, %add3A : i32
    %min3A = arith.constant 4 : i32
    %min3A_3 = arith.minsi %add3A, %min3A : i32
    %add3A_4 = arith.addi %mul3A_2, %min3A_3 : i32
    %lt3A = arith.constant 4 : i32
    %lt3A_5 = arith.cmpi slt, %add3A, %lt3A : i32
    %convert_element_type3A = arith.extui %lt3A_5 : i1 to i32
    %add3A_6 = arith.constant 78 : i32
    %add3A_7 = arith.addi %add3A_6, %convert_element_type3A : i32
    %mul3A_8 = arith.constant 640 : i32
    %mul3A_9 = arith.muli %arg1, %mul3A_8 : i32
    "tpu.region"() ({
      %run_scoped3A_52 = tpu.sem_alloc : memref<!tpu.dma_semaphore, #tpu.memory_space<semaphore_mem>>
      %dma_start3A_53 = arith.constant 0 : i32
      %dma_start3A_54 = tpu.memref_slice %arg11[%mul3A_9, %dma_start3A_53] : memref<10240x32xf32, #tpu.memory_space<vmem_shared>> -> memref<640x32xf32, #tpu.memory_space<vmem_shared>>
      tpu.enqueue_dma source(%arg4 : memref<640x32xf32, #tpu.memory_space<hbm>>) target(%dma_start3A_54 : memref<640x32xf32, #tpu.memory_space<vmem_shared>>) target_semaphore(%run_scoped3A_52 : memref<!tpu.dma_semaphore, #tpu.memory_space<semaphore_mem>>)
      %dma_wait3A = arith.constant 0 : i32
      %dma_wait3A_55 = tpu.memref_slice %arg11[%mul3A_9, %dma_wait3A] : memref<10240x32xf32, #tpu.memory_space<vmem_shared>> -> memref<640x32xf32, #tpu.memory_space<vmem_shared>>
      tpu.wait_dma2 semaphore(%run_scoped3A_52 : memref<!tpu.dma_semaphore, #tpu.memory_space<semaphore_mem>>) src(%arg4 : memref<640x32xf32, #tpu.memory_space<hbm>>) dst(%dma_wait3A_55 : memref<640x32xf32, #tpu.memory_space<vmem_shared>>)
      tpu.yield
    }) : () -> ()
    %run_scoped3A = arith.constant 0 : i32
    "tpu.region"() ({
      %run_scoped3A_52 = tpu.sem_alloc : memref<!tpu.dma_semaphore, #tpu.memory_space<semaphore_mem>>
      %dma_start3A_53 = arith.constant 0 : i32
      %dma_start3A_54 = arith.constant 0 : i32
      %dma_start3A_55 = tpu.memref_slice %arg8[%dma_start3A_53, %dma_start3A_54] : memref<79x128xi32, #tpu.memory_space<vmem>> -> memref<78x128xi32, #tpu.memory_space<vmem>>
      %dma_start3A_56 = arith.constant 0 : i32
      %dma_start3A_57 = tpu.memref_slice %arg2[%run_scoped3A, %add3A_4, %dma_start3A_56] : memref<2x2500x128xi32, #tpu.memory_space<hbm>> -> memref<1x78x128xi32, #tpu.memory_space<hbm>>
      %dma_start3A_58 = tpu.memref_squeeze %dma_start3A_57 : memref<1x78x128xi32, #tpu.memory_space<hbm>> -> memref<78x128xi32, #tpu.memory_space<hbm>>
      %dma_start3A_59 = arith.constant 0 : i32
      %dma_start3A_60 = arith.constant 0 : i32
      %dma_start3A_61 = tpu.memref_slice %arg8[%dma_start3A_59, %dma_start3A_60] : memref<79x128xi32, #tpu.memory_space<vmem>> -> memref<78x128xi32, #tpu.memory_space<vmem>>
      %dma_start3A_62 = arith.constant 0 : i32
      %dma_start3A_63 = tpu.memref_slice %arg2[%run_scoped3A, %add3A_4, %dma_start3A_62] : memref<2x2500x128xi32, #tpu.memory_space<hbm>> -> memref<1x78x128xi32, #tpu.memory_space<hbm>>
      %dma_start3A_64 = tpu.memref_squeeze %dma_start3A_63 : memref<1x78x128xi32, #tpu.memory_space<hbm>> -> memref<78x128xi32, #tpu.memory_space<hbm>>
      tpu.enqueue_dma source(%dma_start3A_64 : memref<78x128xi32, #tpu.memory_space<hbm>>) target(%dma_start3A_61 : memref<78x128xi32, #tpu.memory_space<vmem>>) target_semaphore(%run_scoped3A_52 : memref<!tpu.dma_semaphore, #tpu.memory_space<semaphore_mem>>)
      %dma_wait3A = arith.constant 0 : i32
      %dma_wait3A_65 = arith.constant 0 : i32
      %dma_wait3A_66 = tpu.memref_slice %arg8[%dma_wait3A, %dma_wait3A_65] : memref<79x128xi32, #tpu.memory_space<vmem>> -> memref<78x128xi32, #tpu.memory_space<vmem>>
      %dma_wait3A_67 = arith.constant 0 : i32
      %dma_wait3A_68 = tpu.memref_slice %arg2[%run_scoped3A, %add3A_4, %dma_wait3A_67] : memref<2x2500x128xi32, #tpu.memory_space<hbm>> -> memref<1x78x128xi32, #tpu.memory_space<hbm>>
      %dma_wait3A_69 = tpu.memref_squeeze %dma_wait3A_68 : memref<1x78x128xi32, #tpu.memory_space<hbm>> -> memref<78x128xi32, #tpu.memory_space<hbm>>
      %dma_wait3A_70 = arith.constant 0 : i32
      %dma_wait3A_71 = arith.constant 0 : i32
      %dma_wait3A_72 = tpu.memref_slice %arg8[%dma_wait3A_70, %dma_wait3A_71] : memref<79x128xi32, #tpu.memory_space<vmem>> -> memref<78x128xi32, #tpu.memory_space<vmem>>
      %dma_wait3A_73 = arith.constant 0 : i32
      %dma_wait3A_74 = tpu.memref_slice %arg2[%run_scoped3A, %add3A_4, %dma_wait3A_73] : memref<2x2500x128xi32, #tpu.memory_space<hbm>> -> memref<1x78x128xi32, #tpu.memory_space<hbm>>
      %dma_wait3A_75 = tpu.memref_squeeze %dma_wait3A_74 : memref<1x78x128xi32, #tpu.memory_space<hbm>> -> memref<78x128xi32, #tpu.memory_space<hbm>>
      tpu.wait_dma2 semaphore(%run_scoped3A_52 : memref<!tpu.dma_semaphore, #tpu.memory_space<semaphore_mem>>) src(%dma_wait3A_75 : memref<78x128xi32, #tpu.memory_space<hbm>>) dst(%dma_wait3A_72 : memref<78x128xi32, #tpu.memory_space<vmem>>)
      tpu.yield
    }) : () -> ()
    %run_scoped3A_10 = arith.constant 1 : i32
    "tpu.region"() ({
      %run_scoped3A_52 = tpu.sem_alloc : memref<!tpu.dma_semaphore, #tpu.memory_space<semaphore_mem>>
      %dma_start3A_53 = arith.constant 0 : i32
      %dma_start3A_54 = arith.constant 0 : i32
      %dma_start3A_55 = tpu.memref_slice %arg9[%dma_start3A_53, %dma_start3A_54] : memref<79x128xi32, #tpu.memory_space<vmem>> -> memref<78x128xi32, #tpu.memory_space<vmem>>
      %dma_start3A_56 = arith.constant 0 : i32
      %dma_start3A_57 = tpu.memref_slice %arg2[%run_scoped3A_10, %add3A_4, %dma_start3A_56] : memref<2x2500x128xi32, #tpu.memory_space<hbm>> -> memref<1x78x128xi32, #tpu.memory_space<hbm>>
      %dma_start3A_58 = tpu.memref_squeeze %dma_start3A_57 : memref<1x78x128xi32, #tpu.memory_space<hbm>> -> memref<78x128xi32, #tpu.memory_space<hbm>>
      %dma_start3A_59 = arith.constant 0 : i32
      %dma_start3A_60 = arith.constant 0 : i32
      %dma_start3A_61 = tpu.memref_slice %arg9[%dma_start3A_59, %dma_start3A_60] : memref<79x128xi32, #tpu.memory_space<vmem>> -> memref<78x128xi32, #tpu.memory_space<vmem>>
      %dma_start3A_62 = arith.constant 0 : i32
      %dma_start3A_63 = tpu.memref_slice %arg2[%run_scoped3A_10, %add3A_4, %dma_start3A_62] : memref<2x2500x128xi32, #tpu.memory_space<hbm>> -> memref<1x78x128xi32, #tpu.memory_space<hbm>>
      %dma_start3A_64 = tpu.memref_squeeze %dma_start3A_63 : memref<1x78x128xi32, #tpu.memory_space<hbm>> -> memref<78x128xi32, #tpu.memory_space<hbm>>
      tpu.enqueue_dma source(%dma_start3A_64 : memref<78x128xi32, #tpu.memory_space<hbm>>) target(%dma_start3A_61 : memref<78x128xi32, #tpu.memory_space<vmem>>) target_semaphore(%run_scoped3A_52 : memref<!tpu.dma_semaphore, #tpu.memory_space<semaphore_mem>>)
      %dma_wait3A = arith.constant 0 : i32
      %dma_wait3A_65 = arith.constant 0 : i32
      %dma_wait3A_66 = tpu.memref_slice %arg9[%dma_wait3A, %dma_wait3A_65] : memref<79x128xi32, #tpu.memory_space<vmem>> -> memref<78x128xi32, #tpu.memory_space<vmem>>
      %dma_wait3A_67 = arith.constant 0 : i32
      %dma_wait3A_68 = tpu.memref_slice %arg2[%run_scoped3A_10, %add3A_4, %dma_wait3A_67] : memref<2x2500x128xi32, #tpu.memory_space<hbm>> -> memref<1x78x128xi32, #tpu.memory_space<hbm>>
      %dma_wait3A_69 = tpu.memref_squeeze %dma_wait3A_68 : memref<1x78x128xi32, #tpu.memory_space<hbm>> -> memref<78x128xi32, #tpu.memory_space<hbm>>
      %dma_wait3A_70 = arith.constant 0 : i32
      %dma_wait3A_71 = arith.constant 0 : i32
      %dma_wait3A_72 = tpu.memref_slice %arg9[%dma_wait3A_70, %dma_wait3A_71] : memref<79x128xi32, #tpu.memory_space<vmem>> -> memref<78x128xi32, #tpu.memory_space<vmem>>
      %dma_wait3A_73 = arith.constant 0 : i32
      %dma_wait3A_74 = tpu.memref_slice %arg2[%run_scoped3A_10, %add3A_4, %dma_wait3A_73] : memref<2x2500x128xi32, #tpu.memory_space<hbm>> -> memref<1x78x128xi32, #tpu.memory_space<hbm>>
      %dma_wait3A_75 = tpu.memref_squeeze %dma_wait3A_74 : memref<1x78x128xi32, #tpu.memory_space<hbm>> -> memref<78x128xi32, #tpu.memory_space<hbm>>
      tpu.wait_dma2 semaphore(%run_scoped3A_52 : memref<!tpu.dma_semaphore, #tpu.memory_space<semaphore_mem>>) src(%dma_wait3A_75 : memref<78x128xi32, #tpu.memory_space<hbm>>) dst(%dma_wait3A_72 : memref<78x128xi32, #tpu.memory_space<vmem>>)
      tpu.yield
    }) : () -> ()
    %lt3A_11 = arith.constant 4 : i32
    %lt3A_12 = arith.cmpi slt, %add3A, %lt3A_11 : i32
    %convert_element_type3A_13 = arith.extui %lt3A_12 : i1 to i32
    %cond3A = arith.constant 0 : i32
    %cond3A_14 = arith.cmpi ne, %convert_element_type3A_13, %cond3A : i32
    scf.if %cond3A_14 {
      %add3A_52 = arith.constant 78 : i32
      %add3A_53 = arith.addi %add3A_4, %add3A_52 : i32
      %run_scoped3A_54 = arith.constant 0 : i32
      %run_scoped3A_55 = arith.constant 78 : i32
      "tpu.region"() ({
        %run_scoped3A_60 = tpu.sem_alloc : memref<!tpu.dma_semaphore, #tpu.memory_space<semaphore_mem>>
        %dma_start3A_61 = arith.constant 0 : i32
        %dma_start3A_62 = tpu.memref_slice %arg8[%run_scoped3A_55, %dma_start3A_61] : memref<79x128xi32, #tpu.memory_space<vmem>> -> memref<1x128xi32, #tpu.memory_space<vmem>>
        %dma_start3A_63 = tpu.memref_squeeze %dma_start3A_62 : memref<1x128xi32, #tpu.memory_space<vmem>> -> memref<128xi32, #tpu.memory_space<vmem>>
        %dma_start3A_64 = arith.constant 0 : i32
        %dma_start3A_65 = tpu.memref_slice %arg2[%run_scoped3A_54, %add3A_53, %dma_start3A_64] : memref<2x2500x128xi32, #tpu.memory_space<hbm>> -> memref<1x1x128xi32, #tpu.memory_space<hbm>>
        %dma_start3A_66 = tpu.memref_squeeze %dma_start3A_65 : memref<1x1x128xi32, #tpu.memory_space<hbm>> -> memref<128xi32, #tpu.memory_space<hbm>>
        %dma_start3A_67 = arith.constant 0 : i32
        %dma_start3A_68 = tpu.memref_slice %arg8[%run_scoped3A_55, %dma_start3A_67] : memref<79x128xi32, #tpu.memory_space<vmem>> -> memref<1x128xi32, #tpu.memory_space<vmem>>
        %dma_start3A_69 = tpu.memref_squeeze %dma_start3A_68 : memref<1x128xi32, #tpu.memory_space<vmem>> -> memref<128xi32, #tpu.memory_space<vmem>>
        %dma_start3A_70 = arith.constant 0 : i32
        %dma_start3A_71 = tpu.memref_slice %arg2[%run_scoped3A_54, %add3A_53, %dma_start3A_70] : memref<2x2500x128xi32, #tpu.memory_space<hbm>> -> memref<1x1x128xi32, #tpu.memory_space<hbm>>
        %dma_start3A_72 = tpu.memref_squeeze %dma_start3A_71 : memref<1x1x128xi32, #tpu.memory_space<hbm>> -> memref<128xi32, #tpu.memory_space<hbm>>
        tpu.enqueue_dma source(%dma_start3A_72 : memref<128xi32, #tpu.memory_space<hbm>>) target(%dma_start3A_69 : memref<128xi32, #tpu.memory_space<vmem>>) target_semaphore(%run_scoped3A_60 : memref<!tpu.dma_semaphore, #tpu.memory_space<semaphore_mem>>)
        %dma_wait3A = arith.constant 0 : i32
        %dma_wait3A_73 = tpu.memref_slice %arg8[%run_scoped3A_55, %dma_wait3A] : memref<79x128xi32, #tpu.memory_space<vmem>> -> memref<1x128xi32, #tpu.memory_space<vmem>>
        %dma_wait3A_74 = tpu.memref_squeeze %dma_wait3A_73 : memref<1x128xi32, #tpu.memory_space<vmem>> -> memref<128xi32, #tpu.memory_space<vmem>>
        %dma_wait3A_75 = arith.constant 0 : i32
        %dma_wait3A_76 = tpu.memref_slice %arg2[%run_scoped3A_54, %add3A_53, %dma_wait3A_75] : memref<2x2500x128xi32, #tpu.memory_space<hbm>> -> memref<1x1x128xi32, #tpu.memory_space<hbm>>
        %dma_wait3A_77 = tpu.memref_squeeze %dma_wait3A_76 : memref<1x1x128xi32, #tpu.memory_space<hbm>> -> memref<128xi32, #tpu.memory_space<hbm>>
        %dma_wait3A_78 = arith.constant 0 : i32
        %dma_wait3A_79 = tpu.memref_slice %arg8[%run_scoped3A_55, %dma_wait3A_78] : memref<79x128xi32, #tpu.memory_space<vmem>> -> memref<1x128xi32, #tpu.memory_space<vmem>>
        %dma_wait3A_80 = tpu.memref_squeeze %dma_wait3A_79 : memref<1x128xi32, #tpu.memory_space<vmem>> -> memref<128xi32, #tpu.memory_space<vmem>>
        %dma_wait3A_81 = arith.constant 0 : i32
        %dma_wait3A_82 = tpu.memref_slice %arg2[%run_scoped3A_54, %add3A_53, %dma_wait3A_81] : memref<2x2500x128xi32, #tpu.memory_space<hbm>> -> memref<1x1x128xi32, #tpu.memory_space<hbm>>
        %dma_wait3A_83 = tpu.memref_squeeze %dma_wait3A_82 : memref<1x1x128xi32, #tpu.memory_space<hbm>> -> memref<128xi32, #tpu.memory_space<hbm>>
        tpu.wait_dma2 semaphore(%run_scoped3A_60 : memref<!tpu.dma_semaphore, #tpu.memory_space<semaphore_mem>>) src(%dma_wait3A_83 : memref<128xi32, #tpu.memory_space<hbm>>) dst(%dma_wait3A_80 : memref<128xi32, #tpu.memory_space<vmem>>)
        tpu.yield
      }) : () -> ()
      %add3A_56 = arith.constant 78 : i32
      %add3A_57 = arith.addi %add3A_4, %add3A_56 : i32
      %run_scoped3A_58 = arith.constant 1 : i32
      %run_scoped3A_59 = arith.constant 78 : i32
      "tpu.region"() ({
        %run_scoped3A_60 = tpu.sem_alloc : memref<!tpu.dma_semaphore, #tpu.memory_space<semaphore_mem>>
        %dma_start3A_61 = arith.constant 0 : i32
        %dma_start3A_62 = tpu.memref_slice %arg9[%run_scoped3A_59, %dma_start3A_61] : memref<79x128xi32, #tpu.memory_space<vmem>> -> memref<1x128xi32, #tpu.memory_space<vmem>>
        %dma_start3A_63 = tpu.memref_squeeze %dma_start3A_62 : memref<1x128xi32, #tpu.memory_space<vmem>> -> memref<128xi32, #tpu.memory_space<vmem>>
        %dma_start3A_64 = arith.constant 0 : i32
        %dma_start3A_65 = tpu.memref_slice %arg2[%run_scoped3A_58, %add3A_57, %dma_start3A_64] : memref<2x2500x128xi32, #tpu.memory_space<hbm>> -> memref<1x1x128xi32, #tpu.memory_space<hbm>>
        %dma_start3A_66 = tpu.memref_squeeze %dma_start3A_65 : memref<1x1x128xi32, #tpu.memory_space<hbm>> -> memref<128xi32, #tpu.memory_space<hbm>>
        %dma_start3A_67 = arith.constant 0 : i32
        %dma_start3A_68 = tpu.memref_slice %arg9[%run_scoped3A_59, %dma_start3A_67] : memref<79x128xi32, #tpu.memory_space<vmem>> -> memref<1x128xi32, #tpu.memory_space<vmem>>
        %dma_start3A_69 = tpu.memref_squeeze %dma_start3A_68 : memref<1x128xi32, #tpu.memory_space<vmem>> -> memref<128xi32, #tpu.memory_space<vmem>>
        %dma_start3A_70 = arith.constant 0 : i32
        %dma_start3A_71 = tpu.memref_slice %arg2[%run_scoped3A_58, %add3A_57, %dma_start3A_70] : memref<2x2500x128xi32, #tpu.memory_space<hbm>> -> memref<1x1x128xi32, #tpu.memory_space<hbm>>
        %dma_start3A_72 = tpu.memref_squeeze %dma_start3A_71 : memref<1x1x128xi32, #tpu.memory_space<hbm>> -> memref<128xi32, #tpu.memory_space<hbm>>
        tpu.enqueue_dma source(%dma_start3A_72 : memref<128xi32, #tpu.memory_space<hbm>>) target(%dma_start3A_69 : memref<128xi32, #tpu.memory_space<vmem>>) target_semaphore(%run_scoped3A_60 : memref<!tpu.dma_semaphore, #tpu.memory_space<semaphore_mem>>)
        %dma_wait3A = arith.constant 0 : i32
        %dma_wait3A_73 = tpu.memref_slice %arg9[%run_scoped3A_59, %dma_wait3A] : memref<79x128xi32, #tpu.memory_space<vmem>> -> memref<1x128xi32, #tpu.memory_space<vmem>>
        %dma_wait3A_74 = tpu.memref_squeeze %dma_wait3A_73 : memref<1x128xi32, #tpu.memory_space<vmem>> -> memref<128xi32, #tpu.memory_space<vmem>>
        %dma_wait3A_75 = arith.constant 0 : i32
        %dma_wait3A_76 = tpu.memref_slice %arg2[%run_scoped3A_58, %add3A_57, %dma_wait3A_75] : memref<2x2500x128xi32, #tpu.memory_space<hbm>> -> memref<1x1x128xi32, #tpu.memory_space<hbm>>
        %dma_wait3A_77 = tpu.memref_squeeze %dma_wait3A_76 : memref<1x1x128xi32, #tpu.memory_space<hbm>> -> memref<128xi32, #tpu.memory_space<hbm>>
        %dma_wait3A_78 = arith.constant 0 : i32
        %dma_wait3A_79 = tpu.memref_slice %arg9[%run_scoped3A_59, %dma_wait3A_78] : memref<79x128xi32, #tpu.memory_space<vmem>> -> memref<1x128xi32, #tpu.memory_space<vmem>>
        %dma_wait3A_80 = tpu.memref_squeeze %dma_wait3A_79 : memref<1x128xi32, #tpu.memory_space<vmem>> -> memref<128xi32, #tpu.memory_space<vmem>>
        %dma_wait3A_81 = arith.constant 0 : i32
        %dma_wait3A_82 = tpu.memref_slice %arg2[%run_scoped3A_58, %add3A_57, %dma_wait3A_81] : memref<2x2500x128xi32, #tpu.memory_space<hbm>> -> memref<1x1x128xi32, #tpu.memory_space<hbm>>
        %dma_wait3A_83 = tpu.memref_squeeze %dma_wait3A_82 : memref<1x1x128xi32, #tpu.memory_space<hbm>> -> memref<128xi32, #tpu.memory_space<hbm>>
        tpu.wait_dma2 semaphore(%run_scoped3A_60 : memref<!tpu.dma_semaphore, #tpu.memory_space<semaphore_mem>>) src(%dma_wait3A_83 : memref<128xi32, #tpu.memory_space<hbm>>) dst(%dma_wait3A_80 : memref<128xi32, #tpu.memory_space<vmem>>)
        tpu.yield
      }) : () -> ()
    } else {
    }
    %barrier3A = arith.constant 0 : index
    tpu.barrier barrier_id(%barrier3A)
    %dma_start3A = arith.constant 0 : i32
    %dma_start3A_15 = arith.constant 0 : i32
    %dma_start3A_16 = arith.constant 0 : i32
    %dma_start3A_17 = arith.constant 0 : i32
    %dma_start3A_18 = tpu.memref_slice %arg10[%dma_start3A_15, %dma_start3A_16, %dma_start3A_17] : memref<2x128x32xf32, #tpu.memory_space<vmem>> -> memref<1x128x32xf32, #tpu.memory_space<vmem>>
    %dma_start3A_19 = tpu.memref_squeeze %dma_start3A_18 : memref<1x128x32xf32, #tpu.memory_space<vmem>> -> memref<128x32xf32, #tpu.memory_space<vmem>>
    %dma_start3A_20 = arith.constant 0 : i32
    %dma_start3A_21 = tpu.memref_slice %arg8[%dma_start3A, %dma_start3A_20] : memref<79x128xi32, #tpu.memory_space<vmem>> -> memref<1x128xi32, #tpu.memory_space<vmem>>
    %dma_start3A_22 = tpu.memref_squeeze %dma_start3A_21 : memref<1x128xi32, #tpu.memory_space<vmem>> -> memref<128xi32, #tpu.memory_space<vmem>>
    %dma_start3A_23 = arith.constant 0 : i32
    %dma_start3A_24 = arith.constant 0 : i32
    %dma_start3A_25 = tpu.memref_slice %arg3[%dma_start3A_23, %dma_start3A_24] : memref<10240x32xf32, #tpu.memory_space<hbm>> -> memref<10240x32xf32, #tpu.memory_space<hbm>>
    tpu.enqueue_indirect_dma source(%dma_start3A_25 : memref<10240x32xf32, #tpu.memory_space<hbm>>) target(%dma_start3A_19 : memref<128x32xf32, #tpu.memory_space<vmem>>) offsets(%dma_start3A_22 : memref<128xi32, #tpu.memory_space<vmem>>) semaphore(%arg12 : memref<!tpu.dma_semaphore, #tpu.memory_space<semaphore_mem>>)
    %dma_start3A_26 = arith.constant 1 : i32
    %dma_start3A_27 = arith.constant 1 : i32
    %dma_start3A_28 = arith.constant 0 : i32
    %dma_start3A_29 = arith.constant 0 : i32
    %dma_start3A_30 = tpu.memref_slice %arg10[%dma_start3A_27, %dma_start3A_28, %dma_start3A_29] : memref<2x128x32xf32, #tpu.memory_space<vmem>> -> memref<1x128x32xf32, #tpu.memory_space<vmem>>
    %dma_start3A_31 = tpu.memref_squeeze %dma_start3A_30 : memref<1x128x32xf32, #tpu.memory_space<vmem>> -> memref<128x32xf32, #tpu.memory_space<vmem>>
    %dma_start3A_32 = arith.constant 0 : i32
    %dma_start3A_33 = tpu.memref_slice %arg8[%dma_start3A_26, %dma_start3A_32] : memref<79x128xi32, #tpu.memory_space<vmem>> -> memref<1x128xi32, #tpu.memory_space<vmem>>
    %dma_start3A_34 = tpu.memref_squeeze %dma_start3A_33 : memref<1x128xi32, #tpu.memory_space<vmem>> -> memref<128xi32, #tpu.memory_space<vmem>>
    %dma_start3A_35 = arith.constant 0 : i32
    %dma_start3A_36 = arith.constant 0 : i32
    %dma_start3A_37 = tpu.memref_slice %arg3[%dma_start3A_35, %dma_start3A_36] : memref<10240x32xf32, #tpu.memory_space<hbm>> -> memref<10240x32xf32, #tpu.memory_space<hbm>>
    tpu.enqueue_indirect_dma source(%dma_start3A_37 : memref<10240x32xf32, #tpu.memory_space<hbm>>) target(%dma_start3A_31 : memref<128x32xf32, #tpu.memory_space<vmem>>) offsets(%dma_start3A_34 : memref<128xi32, #tpu.memory_space<vmem>>) semaphore(%arg13 : memref<!tpu.dma_semaphore, #tpu.memory_space<semaphore_mem>>)
    %scan3A = arith.constant 0 : i32
    %scan3A_38 = arith.constant 39 : i32
    %scan3A_39 = arith.addi %scan3A, %scan3A_38 : i32
    %scan3A_40 = arith.constant 1 : i32
    scf.for %scan3A_52 = %scan3A to %scan3A_39 step %scan3A_40  : i32 {
      %mul3A_53 = arith.constant 1 : i32
      %mul3A_54 = arith.muli %scan3A_52, %mul3A_53 : i32
      %add3A_55 = arith.constant 0 : i32
      %add3A_56 = arith.addi %add3A_55, %mul3A_54 : i32
      %mul3A_57 = arith.constant 2 : i32
      %mul3A_58 = arith.muli %add3A_56, %mul3A_57 : i32
      %add3A_59 = arith.constant 0 : i32
      %add3A_60 = arith.addi %mul3A_58, %add3A_59 : i32
      %dma_wait3A = arith.constant 0 : i32
      %dma_wait3A_61 = arith.constant 0 : i32
      %dma_wait3A_62 = arith.constant 0 : i32
      %dma_wait3A_63 = tpu.memref_slice %arg10[%dma_wait3A, %dma_wait3A_61, %dma_wait3A_62] : memref<2x128x32xf32, #tpu.memory_space<vmem>> -> memref<1x128x32xf32, #tpu.memory_space<vmem>>
      %dma_wait3A_64 = tpu.memref_squeeze %dma_wait3A_63 : memref<1x128x32xf32, #tpu.memory_space<vmem>> -> memref<128x32xf32, #tpu.memory_space<vmem>>
      %dma_wait3A_65 = arith.constant 0 : i32
      %dma_wait3A_66 = tpu.memref_slice %arg8[%add3A_60, %dma_wait3A_65] : memref<79x128xi32, #tpu.memory_space<vmem>> -> memref<1x128xi32, #tpu.memory_space<vmem>>
      %dma_wait3A_67 = tpu.memref_squeeze %dma_wait3A_66 : memref<1x128xi32, #tpu.memory_space<vmem>> -> memref<128xi32, #tpu.memory_space<vmem>>
      %dma_wait3A_68 = arith.constant 0 : i32
      %dma_wait3A_69 = arith.constant 0 : i32
      %dma_wait3A_70 = tpu.memref_slice %arg3[%dma_wait3A_68, %dma_wait3A_69] : memref<10240x32xf32, #tpu.memory_space<hbm>> -> memref<10240x32xf32, #tpu.memory_space<hbm>>
      tpu.wait_indirect_dma semaphore(%arg12 : memref<!tpu.dma_semaphore, #tpu.memory_space<semaphore_mem>>) src(%dma_wait3A_70 : memref<10240x32xf32, #tpu.memory_space<hbm>>) dst(%dma_wait3A_64 : memref<128x32xf32, #tpu.memory_space<vmem>>)
      %run_scoped3A_71 = arith.constant 0 : i32
      "tpu.region"() ({
        %run_scoped3A_100 = tpu.sem_alloc : memref<!tpu.dma_semaphore, #tpu.memory_space<semaphore_mem>>
        %dma_start3A_101 = arith.constant 0 : i32
        %dma_start3A_102 = arith.constant 0 : i32
        %dma_start3A_103 = tpu.memref_slice %arg10[%run_scoped3A_71, %dma_start3A_101, %dma_start3A_102] : memref<2x128x32xf32, #tpu.memory_space<vmem>> -> memref<1x128x32xf32, #tpu.memory_space<vmem>>
        %dma_start3A_104 = tpu.memref_squeeze %dma_start3A_103 : memref<1x128x32xf32, #tpu.memory_space<vmem>> -> memref<128x32xf32, #tpu.memory_space<vmem>>
        %dma_start3A_105 = arith.constant 0 : i32
        %dma_start3A_106 = tpu.memref_slice %arg9[%add3A_60, %dma_start3A_105] : memref<79x128xi32, #tpu.memory_space<vmem>> -> memref<1x128xi32, #tpu.memory_space<vmem>>
        %dma_start3A_107 = tpu.memref_squeeze %dma_start3A_106 : memref<1x128xi32, #tpu.memory_space<vmem>> -> memref<128xi32, #tpu.memory_space<vmem>>
        %dma_start3A_108 = arith.constant 0 : i32
        %dma_start3A_109 = arith.constant 0 : i32
        %dma_start3A_110 = tpu.memref_slice %arg11[%dma_start3A_108, %dma_start3A_109] : memref<10240x32xf32, #tpu.memory_space<vmem_shared>> -> memref<10240x32xf32, #tpu.memory_space<vmem_shared>>
        tpu.enqueue_indirect_dma source(%dma_start3A_104 : memref<128x32xf32, #tpu.memory_space<vmem>>) target(%dma_start3A_110 : memref<10240x32xf32, #tpu.memory_space<vmem_shared>>) offsets(%dma_start3A_107 : memref<128xi32, #tpu.memory_space<vmem>>) semaphore(%run_scoped3A_100 : memref<!tpu.dma_semaphore, #tpu.memory_space<semaphore_mem>>) {add = true}
        %dma_wait3A_111 = arith.constant 0 : i32
        %dma_wait3A_112 = arith.constant 0 : i32
        %dma_wait3A_113 = tpu.memref_slice %arg10[%run_scoped3A_71, %dma_wait3A_111, %dma_wait3A_112] : memref<2x128x32xf32, #tpu.memory_space<vmem>> -> memref<1x128x32xf32, #tpu.memory_space<vmem>>
        %dma_wait3A_114 = tpu.memref_squeeze %dma_wait3A_113 : memref<1x128x32xf32, #tpu.memory_space<vmem>> -> memref<128x32xf32, #tpu.memory_space<vmem>>
        %dma_wait3A_115 = arith.constant 0 : i32
        %dma_wait3A_116 = tpu.memref_slice %arg9[%add3A_60, %dma_wait3A_115] : memref<79x128xi32, #tpu.memory_space<vmem>> -> memref<1x128xi32, #tpu.memory_space<vmem>>
        %dma_wait3A_117 = tpu.memref_squeeze %dma_wait3A_116 : memref<1x128xi32, #tpu.memory_space<vmem>> -> memref<128xi32, #tpu.memory_space<vmem>>
        %dma_wait3A_118 = arith.constant 0 : i32
        %dma_wait3A_119 = arith.constant 0 : i32
        %dma_wait3A_120 = tpu.memref_slice %arg11[%dma_wait3A_118, %dma_wait3A_119] : memref<10240x32xf32, #tpu.memory_space<vmem_shared>> -> memref<10240x32xf32, #tpu.memory_space<vmem_shared>>
        tpu.wait_indirect_dma semaphore(%run_scoped3A_100 : memref<!tpu.dma_semaphore, #tpu.memory_space<semaphore_mem>>) src(%dma_wait3A_114 : memref<128x32xf32, #tpu.memory_space<vmem>>) dst(%dma_wait3A_120 : memref<10240x32xf32, #tpu.memory_space<vmem_shared>>)
        tpu.yield
      }) : () -> ()
      %add3A_72 = arith.constant 2 : i32
      %add3A_73 = arith.addi %add3A_60, %add3A_72 : i32
      %lt3A_74 = arith.cmpi slt, %add3A_73, %add3A_7 : i32
      %convert_element_type3A_75 = arith.extui %lt3A_74 : i1 to i32
      %cond3A_76 = arith.constant 0 : i32
      %cond3A_77 = arith.cmpi ne, %convert_element_type3A_75, %cond3A_76 : i32
      scf.if %cond3A_77 {
        %add3A_100 = arith.constant 2 : i32
        %add3A_101 = arith.addi %add3A_60, %add3A_100 : i32
        %dma_start3A_102 = arith.constant 0 : i32
        %dma_start3A_103 = arith.constant 0 : i32
        %dma_start3A_104 = arith.constant 0 : i32
        %dma_start3A_105 = tpu.memref_slice %arg10[%dma_start3A_102, %dma_start3A_103, %dma_start3A_104] : memref<2x128x32xf32, #tpu.memory_space<vmem>> -> memref<1x128x32xf32, #tpu.memory_space<vmem>>
        %dma_start3A_106 = tpu.memref_squeeze %dma_start3A_105 : memref<1x128x32xf32, #tpu.memory_space<vmem>> -> memref<128x32xf32, #tpu.memory_space<vmem>>
        %dma_start3A_107 = arith.constant 0 : i32
        %dma_start3A_108 = tpu.memref_slice %arg8[%add3A_101, %dma_start3A_107] : memref<79x128xi32, #tpu.memory_space<vmem>> -> memref<1x128xi32, #tpu.memory_space<vmem>>
        %dma_start3A_109 = tpu.memref_squeeze %dma_start3A_108 : memref<1x128xi32, #tpu.memory_space<vmem>> -> memref<128xi32, #tpu.memory_space<vmem>>
        %dma_start3A_110 = arith.constant 0 : i32
        %dma_start3A_111 = arith.constant 0 : i32
        %dma_start3A_112 = tpu.memref_slice %arg3[%dma_start3A_110, %dma_start3A_111] : memref<10240x32xf32, #tpu.memory_space<hbm>> -> memref<10240x32xf32, #tpu.memory_space<hbm>>
        tpu.enqueue_indirect_dma source(%dma_start3A_112 : memref<10240x32xf32, #tpu.memory_space<hbm>>) target(%dma_start3A_106 : memref<128x32xf32, #tpu.memory_space<vmem>>) offsets(%dma_start3A_109 : memref<128xi32, #tpu.memory_space<vmem>>) semaphore(%arg12 : memref<!tpu.dma_semaphore, #tpu.memory_space<semaphore_mem>>)
      } else {
      }
      %mul3A_78 = arith.constant 2 : i32
      %mul3A_79 = arith.muli %add3A_56, %mul3A_78 : i32
      %add3A_80 = arith.constant 1 : i32
      %add3A_81 = arith.addi %mul3A_79, %add3A_80 : i32
      %dma_wait3A_82 = arith.constant 1 : i32
      %dma_wait3A_83 = arith.constant 0 : i32
      %dma_wait3A_84 = arith.constant 0 : i32
      %dma_wait3A_85 = tpu.memref_slice %arg10[%dma_wait3A_82, %dma_wait3A_83, %dma_wait3A_84] : memref<2x128x32xf32, #tpu.memory_space<vmem>> -> memref<1x128x32xf32, #tpu.memory_space<vmem>>
      %dma_wait3A_86 = tpu.memref_squeeze %dma_wait3A_85 : memref<1x128x32xf32, #tpu.memory_space<vmem>> -> memref<128x32xf32, #tpu.memory_space<vmem>>
      %dma_wait3A_87 = arith.constant 0 : i32
      %dma_wait3A_88 = tpu.memref_slice %arg8[%add3A_81, %dma_wait3A_87] : memref<79x128xi32, #tpu.memory_space<vmem>> -> memref<1x128xi32, #tpu.memory_space<vmem>>
      %dma_wait3A_89 = tpu.memref_squeeze %dma_wait3A_88 : memref<1x128xi32, #tpu.memory_space<vmem>> -> memref<128xi32, #tpu.memory_space<vmem>>
      %dma_wait3A_90 = arith.constant 0 : i32
      %dma_wait3A_91 = arith.constant 0 : i32
      %dma_wait3A_92 = tpu.memref_slice %arg3[%dma_wait3A_90, %dma_wait3A_91] : memref<10240x32xf32, #tpu.memory_space<hbm>> -> memref<10240x32xf32, #tpu.memory_space<hbm>>
      tpu.wait_indirect_dma semaphore(%arg13 : memref<!tpu.dma_semaphore, #tpu.memory_space<semaphore_mem>>) src(%dma_wait3A_92 : memref<10240x32xf32, #tpu.memory_space<hbm>>) dst(%dma_wait3A_86 : memref<128x32xf32, #tpu.memory_space<vmem>>)
      %run_scoped3A_93 = arith.constant 1 : i32
      "tpu.region"() ({
        %run_scoped3A_100 = tpu.sem_alloc : memref<!tpu.dma_semaphore, #tpu.memory_space<semaphore_mem>>
        %dma_start3A_101 = arith.constant 0 : i32
        %dma_start3A_102 = arith.constant 0 : i32
        %dma_start3A_103 = tpu.memref_slice %arg10[%run_scoped3A_93, %dma_start3A_101, %dma_start3A_102] : memref<2x128x32xf32, #tpu.memory_space<vmem>> -> memref<1x128x32xf32, #tpu.memory_space<vmem>>
        %dma_start3A_104 = tpu.memref_squeeze %dma_start3A_103 : memref<1x128x32xf32, #tpu.memory_space<vmem>> -> memref<128x32xf32, #tpu.memory_space<vmem>>
        %dma_start3A_105 = arith.constant 0 : i32
        %dma_start3A_106 = tpu.memref_slice %arg9[%add3A_81, %dma_start3A_105] : memref<79x128xi32, #tpu.memory_space<vmem>> -> memref<1x128xi32, #tpu.memory_space<vmem>>
        %dma_start3A_107 = tpu.memref_squeeze %dma_start3A_106 : memref<1x128xi32, #tpu.memory_space<vmem>> -> memref<128xi32, #tpu.memory_space<vmem>>
        %dma_start3A_108 = arith.constant 0 : i32
        %dma_start3A_109 = arith.constant 0 : i32
        %dma_start3A_110 = tpu.memref_slice %arg11[%dma_start3A_108, %dma_start3A_109] : memref<10240x32xf32, #tpu.memory_space<vmem_shared>> -> memref<10240x32xf32, #tpu.memory_space<vmem_shared>>
        tpu.enqueue_indirect_dma source(%dma_start3A_104 : memref<128x32xf32, #tpu.memory_space<vmem>>) target(%dma_start3A_110 : memref<10240x32xf32, #tpu.memory_space<vmem_shared>>) offsets(%dma_start3A_107 : memref<128xi32, #tpu.memory_space<vmem>>) semaphore(%run_scoped3A_100 : memref<!tpu.dma_semaphore, #tpu.memory_space<semaphore_mem>>) {add = true}
        %dma_wait3A_111 = arith.constant 0 : i32
        %dma_wait3A_112 = arith.constant 0 : i32
        %dma_wait3A_113 = tpu.memref_slice %arg10[%run_scoped3A_93, %dma_wait3A_111, %dma_wait3A_112] : memref<2x128x32xf32, #tpu.memory_space<vmem>> -> memref<1x128x32xf32, #tpu.memory_space<vmem>>
        %dma_wait3A_114 = tpu.memref_squeeze %dma_wait3A_113 : memref<1x128x32xf32, #tpu.memory_space<vmem>> -> memref<128x32xf32, #tpu.memory_space<vmem>>
        %dma_wait3A_115 = arith.constant 0 : i32
        %dma_wait3A_116 = tpu.memref_slice %arg9[%add3A_81, %dma_wait3A_115] : memref<79x128xi32, #tpu.memory_space<vmem>> -> memref<1x128xi32, #tpu.memory_space<vmem>>
        %dma_wait3A_117 = tpu.memref_squeeze %dma_wait3A_116 : memref<1x128xi32, #tpu.memory_space<vmem>> -> memref<128xi32, #tpu.memory_space<vmem>>
        %dma_wait3A_118 = arith.constant 0 : i32
        %dma_wait3A_119 = arith.constant 0 : i32
        %dma_wait3A_120 = tpu.memref_slice %arg11[%dma_wait3A_118, %dma_wait3A_119] : memref<10240x32xf32, #tpu.memory_space<vmem_shared>> -> memref<10240x32xf32, #tpu.memory_space<vmem_shared>>
        tpu.wait_indirect_dma semaphore(%run_scoped3A_100 : memref<!tpu.dma_semaphore, #tpu.memory_space<semaphore_mem>>) src(%dma_wait3A_114 : memref<128x32xf32, #tpu.memory_space<vmem>>) dst(%dma_wait3A_120 : memref<10240x32xf32, #tpu.memory_space<vmem_shared>>)
        tpu.yield
      }) : () -> ()
      %add3A_94 = arith.constant 2 : i32
      %add3A_95 = arith.addi %add3A_81, %add3A_94 : i32
      %lt3A_96 = arith.cmpi slt, %add3A_95, %add3A_7 : i32
      %convert_element_type3A_97 = arith.extui %lt3A_96 : i1 to i32
      %cond3A_98 = arith.constant 0 : i32
      %cond3A_99 = arith.cmpi ne, %convert_element_type3A_97, %cond3A_98 : i32
      scf.if %cond3A_99 {
        %add3A_100 = arith.constant 2 : i32
        %add3A_101 = arith.addi %add3A_81, %add3A_100 : i32
        %dma_start3A_102 = arith.constant 1 : i32
        %dma_start3A_103 = arith.constant 0 : i32
        %dma_start3A_104 = arith.constant 0 : i32
        %dma_start3A_105 = tpu.memref_slice %arg10[%dma_start3A_102, %dma_start3A_103, %dma_start3A_104] : memref<2x128x32xf32, #tpu.memory_space<vmem>> -> memref<1x128x32xf32, #tpu.memory_space<vmem>>
        %dma_start3A_106 = tpu.memref_squeeze %dma_start3A_105 : memref<1x128x32xf32, #tpu.memory_space<vmem>> -> memref<128x32xf32, #tpu.memory_space<vmem>>
        %dma_start3A_107 = arith.constant 0 : i32
        %dma_start3A_108 = tpu.memref_slice %arg8[%add3A_101, %dma_start3A_107] : memref<79x128xi32, #tpu.memory_space<vmem>> -> memref<1x128xi32, #tpu.memory_space<vmem>>
        %dma_start3A_109 = tpu.memref_squeeze %dma_start3A_108 : memref<1x128xi32, #tpu.memory_space<vmem>> -> memref<128xi32, #tpu.memory_space<vmem>>
        %dma_start3A_110 = arith.constant 0 : i32
        %dma_start3A_111 = arith.constant 0 : i32
        %dma_start3A_112 = tpu.memref_slice %arg3[%dma_start3A_110, %dma_start3A_111] : memref<10240x32xf32, #tpu.memory_space<hbm>> -> memref<10240x32xf32, #tpu.memory_space<hbm>>
        tpu.enqueue_indirect_dma source(%dma_start3A_112 : memref<10240x32xf32, #tpu.memory_space<hbm>>) target(%dma_start3A_106 : memref<128x32xf32, #tpu.memory_space<vmem>>) offsets(%dma_start3A_109 : memref<128xi32, #tpu.memory_space<vmem>>) semaphore(%arg13 : memref<!tpu.dma_semaphore, #tpu.memory_space<semaphore_mem>>)
      } else {
      }
    }
    %scan3A_41 = arith.constant 39 : i32
    %lt3A_42 = arith.constant 4 : i32
    %lt3A_43 = arith.cmpi slt, %add3A, %lt3A_42 : i32
    %convert_element_type3A_44 = arith.extui %lt3A_43 : i1 to i32
    %cond3A_45 = arith.constant 0 : i32
    %cond3A_46 = arith.cmpi ne, %convert_element_type3A_44, %cond3A_45 : i32
    scf.if %cond3A_46 {
      %dma_wait3A = arith.constant 78 : i32
      %dma_wait3A_52 = arith.constant 0 : i32
      %dma_wait3A_53 = arith.constant 0 : i32
      %dma_wait3A_54 = arith.constant 0 : i32
      %dma_wait3A_55 = tpu.memref_slice %arg10[%dma_wait3A_52, %dma_wait3A_53, %dma_wait3A_54] : memref<2x128x32xf32, #tpu.memory_space<vmem>> -> memref<1x128x32xf32, #tpu.memory_space<vmem>>
      %dma_wait3A_56 = tpu.memref_squeeze %dma_wait3A_55 : memref<1x128x32xf32, #tpu.memory_space<vmem>> -> memref<128x32xf32, #tpu.memory_space<vmem>>
      %dma_wait3A_57 = arith.constant 0 : i32
      %dma_wait3A_58 = tpu.memref_slice %arg8[%dma_wait3A, %dma_wait3A_57] : memref<79x128xi32, #tpu.memory_space<vmem>> -> memref<1x128xi32, #tpu.memory_space<vmem>>
      %dma_wait3A_59 = tpu.memref_squeeze %dma_wait3A_58 : memref<1x128xi32, #tpu.memory_space<vmem>> -> memref<128xi32, #tpu.memory_space<vmem>>
      %dma_wait3A_60 = arith.constant 0 : i32
      %dma_wait3A_61 = arith.constant 0 : i32
      %dma_wait3A_62 = tpu.memref_slice %arg3[%dma_wait3A_60, %dma_wait3A_61] : memref<10240x32xf32, #tpu.memory_space<hbm>> -> memref<10240x32xf32, #tpu.memory_space<hbm>>
      tpu.wait_indirect_dma semaphore(%arg12 : memref<!tpu.dma_semaphore, #tpu.memory_space<semaphore_mem>>) src(%dma_wait3A_62 : memref<10240x32xf32, #tpu.memory_space<hbm>>) dst(%dma_wait3A_56 : memref<128x32xf32, #tpu.memory_space<vmem>>)
      %run_scoped3A_63 = arith.constant 0 : i32
      %run_scoped3A_64 = arith.constant 78 : i32
      "tpu.region"() ({
        %run_scoped3A_65 = tpu.sem_alloc : memref<!tpu.dma_semaphore, #tpu.memory_space<semaphore_mem>>
        %dma_start3A_66 = arith.constant 0 : i32
        %dma_start3A_67 = arith.constant 0 : i32
        %dma_start3A_68 = tpu.memref_slice %arg10[%run_scoped3A_63, %dma_start3A_66, %dma_start3A_67] : memref<2x128x32xf32, #tpu.memory_space<vmem>> -> memref<1x128x32xf32, #tpu.memory_space<vmem>>
        %dma_start3A_69 = tpu.memref_squeeze %dma_start3A_68 : memref<1x128x32xf32, #tpu.memory_space<vmem>> -> memref<128x32xf32, #tpu.memory_space<vmem>>
        %dma_start3A_70 = arith.constant 0 : i32
        %dma_start3A_71 = tpu.memref_slice %arg9[%run_scoped3A_64, %dma_start3A_70] : memref<79x128xi32, #tpu.memory_space<vmem>> -> memref<1x128xi32, #tpu.memory_space<vmem>>
        %dma_start3A_72 = tpu.memref_squeeze %dma_start3A_71 : memref<1x128xi32, #tpu.memory_space<vmem>> -> memref<128xi32, #tpu.memory_space<vmem>>
        %dma_start3A_73 = arith.constant 0 : i32
        %dma_start3A_74 = arith.constant 0 : i32
        %dma_start3A_75 = tpu.memref_slice %arg11[%dma_start3A_73, %dma_start3A_74] : memref<10240x32xf32, #tpu.memory_space<vmem_shared>> -> memref<10240x32xf32, #tpu.memory_space<vmem_shared>>
        tpu.enqueue_indirect_dma source(%dma_start3A_69 : memref<128x32xf32, #tpu.memory_space<vmem>>) target(%dma_start3A_75 : memref<10240x32xf32, #tpu.memory_space<vmem_shared>>) offsets(%dma_start3A_72 : memref<128xi32, #tpu.memory_space<vmem>>) semaphore(%run_scoped3A_65 : memref<!tpu.dma_semaphore, #tpu.memory_space<semaphore_mem>>) {add = true}
        %dma_wait3A_76 = arith.constant 0 : i32
        %dma_wait3A_77 = arith.constant 0 : i32
        %dma_wait3A_78 = tpu.memref_slice %arg10[%run_scoped3A_63, %dma_wait3A_76, %dma_wait3A_77] : memref<2x128x32xf32, #tpu.memory_space<vmem>> -> memref<1x128x32xf32, #tpu.memory_space<vmem>>
        %dma_wait3A_79 = tpu.memref_squeeze %dma_wait3A_78 : memref<1x128x32xf32, #tpu.memory_space<vmem>> -> memref<128x32xf32, #tpu.memory_space<vmem>>
        %dma_wait3A_80 = arith.constant 0 : i32
        %dma_wait3A_81 = tpu.memref_slice %arg9[%run_scoped3A_64, %dma_wait3A_80] : memref<79x128xi32, #tpu.memory_space<vmem>> -> memref<1x128xi32, #tpu.memory_space<vmem>>
        %dma_wait3A_82 = tpu.memref_squeeze %dma_wait3A_81 : memref<1x128xi32, #tpu.memory_space<vmem>> -> memref<128xi32, #tpu.memory_space<vmem>>
        %dma_wait3A_83 = arith.constant 0 : i32
        %dma_wait3A_84 = arith.constant 0 : i32
        %dma_wait3A_85 = tpu.memref_slice %arg11[%dma_wait3A_83, %dma_wait3A_84] : memref<10240x32xf32, #tpu.memory_space<vmem_shared>> -> memref<10240x32xf32, #tpu.memory_space<vmem_shared>>
        tpu.wait_indirect_dma semaphore(%run_scoped3A_65 : memref<!tpu.dma_semaphore, #tpu.memory_space<semaphore_mem>>) src(%dma_wait3A_79 : memref<128x32xf32, #tpu.memory_space<vmem>>) dst(%dma_wait3A_85 : memref<10240x32xf32, #tpu.memory_space<vmem_shared>>)
        tpu.yield
      }) : () -> ()
    } else {
    }
    %barrier3A_47 = arith.constant 0 : index
    tpu.barrier barrier_id(%barrier3A_47)
    %mul3A_48 = arith.constant 640 : i32
    %mul3A_49 = arith.muli %arg1, %mul3A_48 : i32
    %mul3A_50 = arith.constant 640 : i32
    %mul3A_51 = arith.muli %arg1, %mul3A_50 : i32
    "tpu.region"() ({
      %run_scoped3A_52 = tpu.sem_alloc : memref<!tpu.dma_semaphore, #tpu.memory_space<semaphore_mem>>
      %dma_start3A_53 = arith.constant 0 : i32
      %dma_start3A_54 = tpu.memref_slice %arg7[%arg0, %mul3A_51, %dma_start3A_53] : memref<2x10240x32xf32, #tpu.memory_space<hbm>> -> memref<1x640x32xf32, #tpu.memory_space<hbm>>
      %dma_start3A_55 = tpu.memref_squeeze %dma_start3A_54 : memref<1x640x32xf32, #tpu.memory_space<hbm>> -> memref<640x32xf32, #tpu.memory_space<hbm>>
      %dma_start3A_56 = arith.constant 0 : i32
      %dma_start3A_57 = tpu.memref_slice %arg11[%mul3A_49, %dma_start3A_56] : memref<10240x32xf32, #tpu.memory_space<vmem_shared>> -> memref<640x32xf32, #tpu.memory_space<vmem_shared>>
      tpu.enqueue_dma source(%dma_start3A_57 : memref<640x32xf32, #tpu.memory_space<vmem_shared>>) target(%dma_start3A_55 : memref<640x32xf32, #tpu.memory_space<hbm>>) target_semaphore(%run_scoped3A_52 : memref<!tpu.dma_semaphore, #tpu.memory_space<semaphore_mem>>)
      %dma_wait3A = arith.constant 0 : i32
      %dma_wait3A_58 = tpu.memref_slice %arg7[%arg0, %mul3A_51, %dma_wait3A] : memref<2x10240x32xf32, #tpu.memory_space<hbm>> -> memref<1x640x32xf32, #tpu.memory_space<hbm>>
      %dma_wait3A_59 = tpu.memref_squeeze %dma_wait3A_58 : memref<1x640x32xf32, #tpu.memory_space<hbm>> -> memref<640x32xf32, #tpu.memory_space<hbm>>
      %dma_wait3A_60 = arith.constant 0 : i32
      %dma_wait3A_61 = tpu.memref_slice %arg11[%mul3A_49, %dma_wait3A_60] : memref<10240x32xf32, #tpu.memory_space<vmem_shared>> -> memref<640x32xf32, #tpu.memory_space<vmem_shared>>
      tpu.wait_dma2 semaphore(%run_scoped3A_52 : memref<!tpu.dma_semaphore, #tpu.memory_space<semaphore_mem>>) src(%dma_wait3A_61 : memref<640x32xf32, #tpu.memory_space<vmem_shared>>) dst(%dma_wait3A_59 : memref<640x32xf32, #tpu.memory_space<hbm>>)
      tpu.yield
    }) : () -> ()
    return
  }
}

module attributes {stable_mosaic.version = 14 : i64} {
  func.func @body(%arg0: i32, %arg1: memref<1280x128xf32, #tpu.memory_space<vmem>>, %arg2: memref<64x128xf32, #tpu.memory_space<vmem>>, %arg3: memref<64x128xf32, #tpu.memory_space<vmem>>, %arg4: memref<1x64xf32, #tpu.memory_space<vmem>>, %arg5: memref<1280x64xf32, #tpu.memory_space<vmem>>, %arg6: memref<1280x64xf32, #tpu.memory_space<vmem>>) attributes {dimension_semantics = [#tpu.dimension_semantics<arbitrary>], iteration_bounds = array<i64: 8>, scalar_prefetch = 0 : i64, scratch_operands = 0 : i64, tpu.core_type = #tpu.core_type<tc>, window_params = [{transform_indices = @transform_0, window_bounds = array<i64: 1280, 128>}, {pipeline_mode = #tpu.pipeline_mode<synchronous>, transform_indices = @transform_1, window_bounds = array<i64: 64, 128>}, {pipeline_mode = #tpu.pipeline_mode<synchronous>, transform_indices = @transform_2, window_bounds = array<i64: 64, 128>}, {pipeline_mode = #tpu.pipeline_mode<synchronous>, transform_indices = @transform_3, window_bounds = array<i64: 1, 64>}, {transform_indices = @transform_4, window_bounds = array<i64: 1280, 64>}, {transform_indices = @transform_5, window_bounds = array<i64: 1280, 64>}]} {
    %get3A = arith.constant 0 : index
    %get3A_0 = arith.constant 0 : index
    %get3A_1 = vector.load %arg1[%get3A, %get3A_0] : memref<1280x128xf32, #tpu.memory_space<vmem>>, vector<1280x128xf32>
    %get3A_2 = arith.constant 0 : index
    %get3A_3 = arith.constant 0 : index
    %get3A_4 = vector.load %arg2[%get3A_2, %get3A_3] : memref<64x128xf32, #tpu.memory_space<vmem>>, vector<64x128xf32>
    %dot_general3A = arith.constant dense<0.000000e+00> : vector<1280x64xf32>
    %dot_general3A_5 = tpu.matmul %get3A_1, %get3A_4, %dot_general3A {dimension_numbers = #tpu.dot_dimension_numbers<[1], [1], [0], [0], [0, 0, 1, 0], [], []>, transpose_lhs_hint = false} : vector<1280x128xf32>, vector<64x128xf32>, vector<1280x64xf32> -> vector<1280x64xf32>
    %swap3A = arith.constant 0 : index
    %swap3A_6 = arith.constant 0 : index
    %swap3A_7 = vector.load %arg5[%swap3A, %swap3A_6] : memref<1280x64xf32, #tpu.memory_space<vmem>>, vector<1280x64xf32>
    tpu.vector_store %arg5[%swap3A, %swap3A_6], %dot_general3A_5 {strides = array<i32>} : memref<1280x64xf32, #tpu.memory_space<vmem>>, vector<1280x64xf32>,
    %get3A_8 = arith.constant 0 : index
    %get3A_9 = arith.constant 0 : index
    %get3A_10 = vector.load %arg3[%get3A_8, %get3A_9] : memref<64x128xf32, #tpu.memory_space<vmem>>, vector<64x128xf32>
    %dot_general3A_11 = arith.constant dense<0.000000e+00> : vector<1280x64xf32>
    %dot_general3A_12 = tpu.matmul %get3A_1, %get3A_10, %dot_general3A_11 {dimension_numbers = #tpu.dot_dimension_numbers<[1], [1], [0], [0], [0, 0, 1, 0], [], []>, transpose_lhs_hint = false} : vector<1280x128xf32>, vector<64x128xf32>, vector<1280x64xf32> -> vector<1280x64xf32>
    %get3A_13 = arith.constant 0 : index
    %get3A_14 = arith.constant 0 : index
    %get3A_15 = vector.load %arg4[%get3A_13, %get3A_14] : memref<1x64xf32, #tpu.memory_space<vmem>>, vector<1x64xf32>
    %add3A = vector.broadcast %get3A_15 : vector<1x64xf32> to vector<1280x64xf32>
    %add3A_16 = arith.addf %dot_general3A_12, %add3A : vector<1280x64xf32>
    %swap3A_17 = arith.constant 0 : index
    %swap3A_18 = arith.constant 0 : index
    %swap3A_19 = vector.load %arg6[%swap3A_17, %swap3A_18] : memref<1280x64xf32, #tpu.memory_space<vmem>>, vector<1280x64xf32>
    tpu.vector_store %arg6[%swap3A_17, %swap3A_18], %add3A_16 {strides = array<i32>} : memref<1280x64xf32, #tpu.memory_space<vmem>>, vector<1280x64xf32>,
    return
  }
  func.func @transform_0(%arg0: i32) -> (i32, i32) {
    %c0_i32 = arith.constant 0 : i32
    %c0_i32_0 = arith.constant 0 : i32
    return %arg0, %c0_i32 : i32, i32
  }
  func.func @transform_1(%arg0: i32) -> (i32, i32) {
    %c0_i32 = arith.constant 0 : i32
    %c0_i32_0 = arith.constant 0 : i32
    %c0_i32_1 = arith.constant 0 : i32
    return %c0_i32, %c0_i32_0 : i32, i32
  }
  func.func @transform_2(%arg0: i32) -> (i32, i32) {
    %c0_i32 = arith.constant 0 : i32
    %c0_i32_0 = arith.constant 0 : i32
    %c0_i32_1 = arith.constant 0 : i32
    return %c0_i32, %c0_i32_0 : i32, i32
  }
  func.func @transform_3(%arg0: i32) -> (i32, i32) {
    %c0_i32 = arith.constant 0 : i32
    %c0_i32_0 = arith.constant 0 : i32
    %c0_i32_1 = arith.constant 0 : i32
    return %c0_i32, %c0_i32_0 : i32, i32
  }
  func.func @transform_4(%arg0: i32) -> (i32, i32) {
    %c0_i32 = arith.constant 0 : i32
    %c0_i32_0 = arith.constant 0 : i32
    return %arg0, %c0_i32 : i32, i32
  }
  func.func @transform_5(%arg0: i32) -> (i32, i32) {
    %c0_i32 = arith.constant 0 : i32
    %c0_i32_0 = arith.constant 0 : i32
    return %arg0, %c0_i32 : i32, i32
  }
}

module attributes {stable_mosaic.version = 14 : i64} {
  func.func @body(%arg0: i32, %arg1: memref<2x2560x64xf32, #tpu.memory_space<vmem>>, %arg2: memref<2x2560x16xf32, #tpu.memory_space<vmem>>, %arg3: memref<2560x64xf32, #tpu.memory_space<vmem>>, %arg4: memref<32x64xf32, #tpu.memory_space<vmem>>, %arg5: memref<32x64xf32, #tpu.memory_space<vmem>>, %arg6: memref<1x32xf32, #tpu.memory_space<vmem>>, %arg7: memref<2560x32xf32, #tpu.memory_space<vmem>>, %arg8: memref<2560x32xf32, #tpu.memory_space<vmem>>, %arg9: memref<2560x1xf32, #tpu.memory_space<vmem>>) attributes {dimension_semantics = [#tpu.dimension_semantics<arbitrary>], iteration_bounds = array<i64: 4>, scalar_prefetch = 0 : i64, scratch_operands = 0 : i64, tpu.core_type = #tpu.core_type<tc>, window_params = [{transform_indices = @transform_0, window_bounds = array<i64: 2, 2560, 64>}, {transform_indices = @transform_1, window_bounds = array<i64: 2, 2560, 16>}, {transform_indices = @transform_2, window_bounds = array<i64: 2560, 64>}, {pipeline_mode = #tpu.pipeline_mode<synchronous>, transform_indices = @transform_3, window_bounds = array<i64: 32, 64>}, {pipeline_mode = #tpu.pipeline_mode<synchronous>, transform_indices = @transform_4, window_bounds = array<i64: 32, 64>}, {pipeline_mode = #tpu.pipeline_mode<synchronous>, transform_indices = @transform_5, window_bounds = array<i64: 1, 32>}, {transform_indices = @transform_6, window_bounds = array<i64: 2560, 32>}, {transform_indices = @transform_7, window_bounds = array<i64: 2560, 32>}, {transform_indices = @transform_8, window_bounds = array<i64: 2560, 1>}]} {
    %get3A = arith.constant 0 : index
    %get3A_0 = arith.constant 0 : index
    %get3A_1 = arith.constant 0 : index
    %get3A_2 = vector.load %arg2[%get3A, %get3A_0, %get3A_1] : memref<2x2560x16xf32, #tpu.memory_space<vmem>>, vector<1x2560x1xf32>
    %get3A_3 = vector.shape_cast %get3A_2 : vector<1x2560x1xf32> to vector<2560x1xf32>
    %get3A_4 = arith.constant 1 : index
    %get3A_5 = arith.constant 0 : index
    %get3A_6 = arith.constant 0 : index
    %get3A_7 = vector.load %arg2[%get3A_4, %get3A_5, %get3A_6] : memref<2x2560x16xf32, #tpu.memory_space<vmem>>, vector<1x2560x1xf32>
    %get3A_8 = vector.shape_cast %get3A_7 : vector<1x2560x1xf32> to vector<2560x1xf32>
    %add3A = arith.addf %get3A_3, %get3A_8 : vector<2560x1xf32>
    %swap3A = arith.constant 0 : index
    %swap3A_9 = arith.constant 0 : index
    %swap3A_10 = vector.load %arg9[%swap3A, %swap3A_9] : memref<2560x1xf32, #tpu.memory_space<vmem>>, vector<2560x1xf32>
    tpu.vector_store %arg9[%swap3A, %swap3A_9], %add3A {strides = array<i32>} : memref<2560x1xf32, #tpu.memory_space<vmem>>, vector<2560x1xf32>,
    %get3A_11 = arith.constant 0 : index
    %get3A_12 = arith.constant 0 : index
    %get3A_13 = arith.constant 0 : index
    %get3A_14 = vector.load %arg1[%get3A_11, %get3A_12, %get3A_13] : memref<2x2560x64xf32, #tpu.memory_space<vmem>>, vector<1x2560x64xf32>
    %get3A_15 = vector.shape_cast %get3A_14 : vector<1x2560x64xf32> to vector<2560x64xf32>
    %get3A_16 = arith.constant 1 : index
    %get3A_17 = arith.constant 0 : index
    %get3A_18 = arith.constant 0 : index
    %get3A_19 = vector.load %arg1[%get3A_16, %get3A_17, %get3A_18] : memref<2x2560x64xf32, #tpu.memory_space<vmem>>, vector<1x2560x64xf32>
    %get3A_20 = vector.shape_cast %get3A_19 : vector<1x2560x64xf32> to vector<2560x64xf32>
    %add3A_21 = arith.addf %get3A_15, %get3A_20 : vector<2560x64xf32>
    %max3A = arith.constant 1.000000e+00 : f32
    %max3A_22 = vector.broadcast %max3A : f32 to vector<2560x1xf32>
    %max3A_23 = arith.maximumf %add3A, %max3A_22 : vector<2560x1xf32>
    %div3A = vector.broadcast %max3A_23 : vector<2560x1xf32> to vector<2560x64xf32>
    %div3A_24 = arith.divf %add3A_21, %div3A : vector<2560x64xf32>
    %get3A_25 = arith.constant 0 : index
    %get3A_26 = arith.constant 0 : index
    %get3A_27 = vector.load %arg3[%get3A_25, %get3A_26] : memref<2560x64xf32, #tpu.memory_space<vmem>>, vector<2560x64xf32>
    %add3A_28 = arith.addf %div3A_24, %get3A_27 : vector<2560x64xf32>
    %max3A_29 = arith.constant 0.000000e+00 : f32
    %max3A_30 = vector.broadcast %max3A_29 : f32 to vector<2560x64xf32>
    %max3A_31 = arith.maximumf %add3A_28, %max3A_30 : vector<2560x64xf32>
    %get3A_32 = arith.constant 0 : index
    %get3A_33 = arith.constant 0 : index
    %get3A_34 = vector.load %arg4[%get3A_32, %get3A_33] : memref<32x64xf32, #tpu.memory_space<vmem>>, vector<32x64xf32>
    %dot_general3A = arith.constant dense<0.000000e+00> : vector<2560x32xf32>
    %dot_general3A_35 = tpu.matmul %max3A_31, %get3A_34, %dot_general3A {dimension_numbers = #tpu.dot_dimension_numbers<[1], [1], [0], [0], [0, 0, 1, 0], [], []>, transpose_lhs_hint = false} : vector<2560x64xf32>, vector<32x64xf32>, vector<2560x32xf32> -> vector<2560x32xf32>
    %swap3A_36 = arith.constant 0 : index
    %swap3A_37 = arith.constant 0 : index
    %swap3A_38 = vector.load %arg7[%swap3A_36, %swap3A_37] : memref<2560x32xf32, #tpu.memory_space<vmem>>, vector<2560x32xf32>
    tpu.vector_store %arg7[%swap3A_36, %swap3A_37], %dot_general3A_35 {strides = array<i32>} : memref<2560x32xf32, #tpu.memory_space<vmem>>, vector<2560x32xf32>,
    %get3A_39 = arith.constant 0 : index
    %get3A_40 = arith.constant 0 : index
    %get3A_41 = vector.load %arg5[%get3A_39, %get3A_40] : memref<32x64xf32, #tpu.memory_space<vmem>>, vector<32x64xf32>
    %dot_general3A_42 = arith.constant dense<0.000000e+00> : vector<2560x32xf32>
    %dot_general3A_43 = tpu.matmul %max3A_31, %get3A_41, %dot_general3A_42 {dimension_numbers = #tpu.dot_dimension_numbers<[1], [1], [0], [0], [0, 0, 1, 0], [], []>, transpose_lhs_hint = false} : vector<2560x64xf32>, vector<32x64xf32>, vector<2560x32xf32> -> vector<2560x32xf32>
    %get3A_44 = arith.constant 0 : index
    %get3A_45 = arith.constant 0 : index
    %get3A_46 = vector.load %arg6[%get3A_44, %get3A_45] : memref<1x32xf32, #tpu.memory_space<vmem>>, vector<1x32xf32>
    %add3A_47 = vector.broadcast %get3A_46 : vector<1x32xf32> to vector<2560x32xf32>
    %add3A_48 = arith.addf %dot_general3A_43, %add3A_47 : vector<2560x32xf32>
    %swap3A_49 = arith.constant 0 : index
    %swap3A_50 = arith.constant 0 : index
    %swap3A_51 = vector.load %arg8[%swap3A_49, %swap3A_50] : memref<2560x32xf32, #tpu.memory_space<vmem>>, vector<2560x32xf32>
    tpu.vector_store %arg8[%swap3A_49, %swap3A_50], %add3A_48 {strides = array<i32>} : memref<2560x32xf32, #tpu.memory_space<vmem>>, vector<2560x32xf32>,
    return
  }
  func.func @transform_0(%arg0: i32) -> (i32, i32, i32) {
    %c0_i32 = arith.constant 0 : i32
    %c0_i32_0 = arith.constant 0 : i32
    %c0_i32_1 = arith.constant 0 : i32
    return %c0_i32, %arg0, %c0_i32_0 : i32, i32, i32
  }
  func.func @transform_1(%arg0: i32) -> (i32, i32, i32) {
    %c0_i32 = arith.constant 0 : i32
    %c0_i32_0 = arith.constant 0 : i32
    %c0_i32_1 = arith.constant 0 : i32
    return %c0_i32, %arg0, %c0_i32_0 : i32, i32, i32
  }
  func.func @transform_2(%arg0: i32) -> (i32, i32) {
    %c0_i32 = arith.constant 0 : i32
    %c0_i32_0 = arith.constant 0 : i32
    return %arg0, %c0_i32 : i32, i32
  }
  func.func @transform_3(%arg0: i32) -> (i32, i32) {
    %c0_i32 = arith.constant 0 : i32
    %c0_i32_0 = arith.constant 0 : i32
    %c0_i32_1 = arith.constant 0 : i32
    return %c0_i32, %c0_i32_0 : i32, i32
  }
  func.func @transform_4(%arg0: i32) -> (i32, i32) {
    %c0_i32 = arith.constant 0 : i32
    %c0_i32_0 = arith.constant 0 : i32
    %c0_i32_1 = arith.constant 0 : i32
    return %c0_i32, %c0_i32_0 : i32, i32
  }
  func.func @transform_5(%arg0: i32) -> (i32, i32) {
    %c0_i32 = arith.constant 0 : i32
    %c0_i32_0 = arith.constant 0 : i32
    %c0_i32_1 = arith.constant 0 : i32
    return %c0_i32, %c0_i32_0 : i32, i32
  }
  func.func @transform_6(%arg0: i32) -> (i32, i32) {
    %c0_i32 = arith.constant 0 : i32
    %c0_i32_0 = arith.constant 0 : i32
    return %arg0, %c0_i32 : i32, i32
  }
  func.func @transform_7(%arg0: i32) -> (i32, i32) {
    %c0_i32 = arith.constant 0 : i32
    %c0_i32_0 = arith.constant 0 : i32
    return %arg0, %c0_i32 : i32, i32
  }
  func.func @transform_8(%arg0: i32) -> (i32, i32) {
    %c0_i32 = arith.constant 0 : i32
    %c0_i32_0 = arith.constant 0 : i32
    return %arg0, %c0_i32 : i32, i32
  }
}

module attributes {stable_mosaic.version = 14 : i64} {
  func.func @body(%arg0: i32, %arg1: memref<2x2000x32xf32, #tpu.memory_space<vmem>>, %arg2: memref<2000x1xf32, #tpu.memory_space<vmem>>, %arg3: memref<2000x32xf32, #tpu.memory_space<vmem>>, %arg4: memref<2000x32xf32, #tpu.memory_space<vmem>>) attributes {dimension_semantics = [#tpu.dimension_semantics<arbitrary>], iteration_bounds = array<i64: 5>, scalar_prefetch = 0 : i64, scratch_operands = 0 : i64, tpu.core_type = #tpu.core_type<tc>, window_params = [{transform_indices = @transform_0, window_bounds = array<i64: 2, 2000, 32>}, {transform_indices = @transform_1, window_bounds = array<i64: 2000, 1>}, {transform_indices = @transform_2, window_bounds = array<i64: 2000, 32>}, {transform_indices = @transform_3, window_bounds = array<i64: 2000, 32>}]} {
    %get3A = arith.constant 0 : index
    %get3A_0 = arith.constant 0 : index
    %get3A_1 = arith.constant 0 : index
    %get3A_2 = vector.load %arg1[%get3A, %get3A_0, %get3A_1] : memref<2x2000x32xf32, #tpu.memory_space<vmem>>, vector<1x2000x32xf32>
    %get3A_3 = vector.shape_cast %get3A_2 : vector<1x2000x32xf32> to vector<2000x32xf32>
    %get3A_4 = arith.constant 1 : index
    %get3A_5 = arith.constant 0 : index
    %get3A_6 = arith.constant 0 : index
    %get3A_7 = vector.load %arg1[%get3A_4, %get3A_5, %get3A_6] : memref<2x2000x32xf32, #tpu.memory_space<vmem>>, vector<1x2000x32xf32>
    %get3A_8 = vector.shape_cast %get3A_7 : vector<1x2000x32xf32> to vector<2000x32xf32>
    %add3A = arith.addf %get3A_3, %get3A_8 : vector<2000x32xf32>
    %get3A_9 = arith.constant 0 : index
    %get3A_10 = arith.constant 0 : index
    %get3A_11 = vector.load %arg2[%get3A_9, %get3A_10] : memref<2000x1xf32, #tpu.memory_space<vmem>>, vector<2000x1xf32>
    %max3A = arith.constant 1.000000e+00 : f32
    %max3A_12 = vector.broadcast %max3A : f32 to vector<2000x1xf32>
    %max3A_13 = arith.maximumf %get3A_11, %max3A_12 : vector<2000x1xf32>
    %div3A = vector.broadcast %max3A_13 : vector<2000x1xf32> to vector<2000x32xf32>
    %div3A_14 = arith.divf %add3A, %div3A : vector<2000x32xf32>
    %get3A_15 = arith.constant 0 : index
    %get3A_16 = arith.constant 0 : index
    %get3A_17 = vector.load %arg3[%get3A_15, %get3A_16] : memref<2000x32xf32, #tpu.memory_space<vmem>>, vector<2000x32xf32>
    %add3A_18 = arith.addf %div3A_14, %get3A_17 : vector<2000x32xf32>
    %swap3A = arith.constant 0 : index
    %swap3A_19 = arith.constant 0 : index
    %swap3A_20 = vector.load %arg4[%swap3A, %swap3A_19] : memref<2000x32xf32, #tpu.memory_space<vmem>>, vector<2000x32xf32>
    tpu.vector_store %arg4[%swap3A, %swap3A_19], %add3A_18 {strides = array<i32>} : memref<2000x32xf32, #tpu.memory_space<vmem>>, vector<2000x32xf32>,
    return
  }
  func.func @transform_0(%arg0: i32) -> (i32, i32, i32) {
    %c0_i32 = arith.constant 0 : i32
    %c0_i32_0 = arith.constant 0 : i32
    %c0_i32_1 = arith.constant 0 : i32
    return %c0_i32, %arg0, %c0_i32_0 : i32, i32, i32
  }
  func.func @transform_1(%arg0: i32) -> (i32, i32) {
    %c0_i32 = arith.constant 0 : i32
    %c0_i32_0 = arith.constant 0 : i32
    return %arg0, %c0_i32 : i32, i32
  }
  func.func @transform_2(%arg0: i32) -> (i32, i32) {
    %c0_i32 = arith.constant 0 : i32
    %c0_i32_0 = arith.constant 0 : i32
    return %arg0, %c0_i32 : i32, i32
  }
  func.func @transform_3(%arg0: i32) -> (i32, i32) {
    %c0_i32 = arith.constant 0 : i32
    %c0_i32_0 = arith.constant 0 : i32
    return %arg0, %c0_i32 : i32, i32
  }
}

</mosaic_0001>

<sc_bundles>
// kernel: kernel.10.cloned.1.call-start
scs
__scs_entry_jumppad:
0x0: {  	(pc) =	sbr.rel $0x88, $3  }
0x1: {  	(tag) =	ssettag $0x0;
	lr =	simm.s32 $0x1  }
0x2: {  	[smem:$0x3F99] =	sst lr;
	_ =	strace $0xD0000000  }
0x3: {  	_ = 	snop  }
0x4: {  	_ = 	snop  }
0x5: {  	_ = 	snop  }
0x6: {  	_ = 	snop  }
0x7: {  	_ = 	snop  }
__scs_overlays_trampoline_lowered:
0x8: {  	[smem:$0x3FA8] =	sst s0  }
0x9: {  	[smem:$0x3FA9] =	sst s1  }
0xa: {  	[smem:$0x3FAA] =	sst s2  }
0xb: {  	[smem:$0x3FAB] =	sst s3  }
0xc: {  	[smem:$0x3FAC] =	sst s4  }
0xd: {  	[smem:$0x3FAD] =	sst s5  }
0xe: {  	[smem:$0x3FAE] =	sst s6  }
0xf: {  	[smem:$0x3FAF] =	sst s7  }
0x10: {  	[smem:$0x3FB0] =	sst s8  }
0x11: {  	[smem:$0x3FB1] =	sst s9;
	s0 =	simm.s32 @!p0 $0x0  }
0x12: {  	s1 =	sld [smem:$0x3F97];
	s0 =	simm.s32 @p0 $0x1  }
0x13: {  	[smem:$0x3FB2] =	sst s0;
	s0 =	simm.s32 @!p1 $0x0  }
0x14: {  	s2 =	sld [smem:$0x3F96];
	s0 =	simm.s32 @p1 $0x1  }
0x15: {  	[smem:$0x3FB3] =	sst s0;
	s0 =	simm.s32 @!p2 $0x0  }
0x16: {  	s3 =	sld [smem:$0x3FDB];
	s0 =	simm.s32 @p2 $0x1  }
0x17: {  	s4 =	simm.s32 $0x1BF5;
	[smem:$0x3FB5] =	sst s0  }
0x18: {  	s0 =	sld [smem:$0x3F98];
	_ =	swait.ge [sflag:s4], $0x0  }
0x19: {  	s7 =	sld [smem:$0x3F99]  }
0x1a: {  	s8 =	sadd.s32 $0xFFFFE003, lr  }
0x1b: {  	s9 =	sadd.s32 $0xFFFFFEF7, lr;
	s5 =	simm.s32 $0xFFFFFFFF;
	p2 =	slt.u32 s8, $0xFFFFF086  }
0x1c: {  	p1 =	slt.u32 s9, $0xF7A;
	s5 =	simm.s32 @!p2 $0x0  }
0x1d: {  	s5 =	simm.s32 @p1 $0x1;
	p0 =	seq.s32 s7, s2  }
0x1e: {  	s7 =	smul.u32 @!p0 $0xF7A, s2;
	p2 =	seq.s32 @!p0 s5, $0x0  }
0x1f: {  	s9 =	smul.u32 $0xF7A, s1;
	s8 =	simm.s32 @!p0 $0x1BF5;
	p2 =	por !p2, p0  }
0x20: {  	[sflag:s8] =	ssyncset.s32 @!p0 $0xFFFFF086;
	s6 =	sadd.s32 @!p0 s3, s7;
	s7 =	simm.s32 @!p0 $0x108  }
0x21: {  	s3 =	sadd.s32 s3, s9;
	s6 =	sadd.s32 @!p0 $0x88, s6;
	s7 =	simm.s32 @p2 $0x1082  }
0x22: {  	[simem:s7], [sflag:s8] =	dma.local @!p0 [hbm:s6], $0xF7A  }
0x23: {  	s9 =	sor.u32 $0xD0000000, s2;
	s6 =	simm.s32 $0x108;
	_ =	swait.ge @!p0 [sflag:s8], $0x0  }
0x24: {  	s3 =	sadd.s32 $0x88, s3;
	s6 =	simm.s32 @!p1 $0x1082;
	[sflag:s4] =	ssyncset.s32 $0xFFFFF086  }
0x25: {  	[simem:s6], [sflag:s4] =	dma.local [hbm:s3], $0xF7A  }
0x26: {  	[smem:$0x3F99] =	sst s1;
	(tag) =	ssettag s2;
	_ =	strace s9  }
0x27: {  	s1 =	sld [smem:$0x3FA9]  }
0x28: {  	s2 =	sld [smem:$0x3FAA]  }
0x29: {  	s4 =	sld [smem:$0x3FAC]  }
0x2a: {  	p0 =	seq.s32 s5, $0x0;
	s5 =	sld [smem:$0x3FAD]  }
0x2b: {  	s6 =	sld [smem:$0x3FAE]  }
0x2c: {  	s7 =	sld [smem:$0x3FAF]  }
0x2d: {  	s3 =	simm.s32 $0x108;
	s8 =	sld [smem:$0x3FB0]  }
0x2e: {  	s3 =	simm.s32 @!p0 $0x1082;
	s9 =	sld [smem:$0x3FB1]  }
0x2f: {  	lr =	sadd.s32 s0, s3;
	s0 =	sld [smem:$0x3FA8]  }
0x30: {  	s3 =	sld [smem:$0x3FAB]  }
0x31: {  	[smem:$0x3FB4] =	sst s10  }
0x32: {  	s10 =	sld [smem:$0x3FB2];
	_ =	sdelay $0x3  }
0x33: {  	p0 =	seq.s32 s10, $0x1;
	s10 =	sld [smem:$0x3FB4];
	_ =	sdelay $0x3  }
0x34: {  	[smem:$0x3FB4] =	sst s10  }
0x35: {  	s10 =	sld [smem:$0x3FB3];
	_ =	sdelay $0x3  }
0x36: {  	p1 =	seq.s32 s10, $0x1;
	s10 =	sld [smem:$0x3FB4];
	_ =	sdelay $0x3  }
0x37: {  	[smem:$0x3FB4] =	sst s10  }
0x38: {  	s10 =	sld [smem:$0x3FB5]  }
0x39: {  	_ = 	snop;
	(pc) =	sbr.ind lr, $3  }
0x3a: {  	_ = 	snop  }
0x3b: {  	_ = 	snop  }
0x3c: {  	p2 =	seq.s32 s10, $0x1;
	s10 =	sld [smem:$0x3FB4]  }
0x3d: {  	_ =	shalt  }
0x3e: {  	_ =	shalt  }
0x3f: {  	_ =	shalt  }
0x40: {  	_ =	shalt  }
0x41: {  	_ =	shalt  }
0x42: {  	_ =	shalt  }
0x43: {  	_ =	shalt  }
0x44: {  	_ =	shalt  }
0x45: {  	_ =	shalt  }
0x46: {  	_ =	shalt  }
0x47: {  	_ =	shalt  }
0x48: {  	_ =	shalt  }
0x49: {  	_ =	shalt  }
0x4a: {  	_ =	shalt  }
0x4b: {  	_ =	shalt  }
0x4c: {  	_ =	shalt  }
0x4d: {  	_ =	shalt  }
0x4e: {  	_ =	shalt  }
0x4f: {  	_ =	shalt  }
0x50: {  	_ =	shalt  }
0x51: {  	_ =	shalt  }
0x52: {  	_ =	shalt  }
0x53: {  	_ =	shalt  }
0x54: {  	_ =	shalt  }
0x55: {  	_ =	shalt  }
0x56: {  	_ =	shalt  }
0x57: {  	_ =	shalt  }
0x58: {  	_ =	shalt  }
0x59: {  	_ =	shalt  }
0x5a: {  	_ =	shalt  }
0x5b: {  	_ =	shalt  }
0x5c: {  	_ =	shalt  }
0x5d: {  	_ =	shalt  }
0x5e: {  	_ =	shalt  }
0x5f: {  	_ =	shalt  }
0x60: {  	_ =	shalt  }
0x61: {  	_ =	shalt  }
0x62: {  	_ =	shalt  }
0x63: {  	_ =	shalt  }
0x64: {  	_ =	shalt  }
0x65: {  	_ =	shalt  }
0x66: {  	_ =	shalt  }
0x67: {  	_ =	shalt  }
0x68: {  	_ =	shalt  }
0x69: {  	_ =	shalt  }
0x6a: {  	_ =	shalt  }
0x6b: {  	_ =	shalt  }
0x6c: {  	_ =	shalt  }
0x6d: {  	_ =	shalt  }
0x6e: {  	_ =	shalt  }
0x6f: {  	_ =	shalt  }
0x70: {  	_ =	shalt  }
0x71: {  	_ =	shalt  }
0x72: {  	_ =	shalt  }
0x73: {  	_ =	shalt  }
0x74: {  	_ =	shalt  }
0x75: {  	_ =	shalt  }
0x76: {  	_ =	shalt  }
0x77: {  	_ =	shalt  }
0x78: {  	_ =	shalt  }
0x79: {  	_ =	shalt  }
0x7a: {  	_ =	shalt  }
0x7b: {  	_ =	shalt  }
0x7c: {  	_ =	shalt  }
0x7d: {  	_ =	shalt  }
0x7e: {  	_ =	shalt  }
0x7f: {  	_ =	shalt  }
0x80: {  	_ =	shalt  }
0x81: {  	_ =	shalt  }
0x82: {  	_ =	shalt  }
0x83: {  	_ =	shalt  }
0x84: {  	_ =	shalt  }
0x85: {  	_ =	shalt  }
0x86: {  	_ =	shalt  }
0x87: {  	_ =	shalt  }
.Lfunc_end0:
.L_simem_size_0:
called_computation.1_lowered:
.L_overlay_start_0:
0x88: {  	s2 =	sld [smem:$0x3FD9]  }
0x89: {  	s3 =	sld [smem:$0x3FFE];
	_ =	sdelay $0x1  }
0x8a: {  	s1 =	srdreg.scid  }
0x8b: {  	s0 =	sand.u32 $0x1, s1  }
0x8c: {  	s17 =	sshll.u32 s0, $0xA;
	s2 =	sadd.s32 s3, s2  }
0x8d: {  	s2 =	sadd.s32 s2, s17  }
0x8e: {  	[smem:$0x3FC0] =	sst s2  }
0x8f: {  	_ = 	snop  }
0x90: {  	s2 =	sld [smem:$0x3FD0];
	(tm) =	ssettm $0x1  }
0x91: {  	s18 =	sld [smem:$0x3FFB];
	_ =	sdelay $0x3  }
0x92: {  	_ =	strace s18  }
0x93: {  	s3 =	sld [smem:$0x3FFC];
	_ =	sdelay $0x3  }
0x94: {  	_ =	strace s3  }
0x95: {  	s3 =	sld [smem:$0x3FFD];
	_ =	sdelay $0x3  }
0x96: {  	_ =	strace s3  }
0x97: {  	_ =	strace $0x8FFFFFFF  }
0x98: {  	s19 =	sld [smem:$0x3FDB];
	_ =	sdelay $0x1  }
0x99: {  	s4 =	simm.s32 $_scs_section_size  }
0x9a: {  	s5 =	simm.s32 $_size__tile_overlayer_lowered;
	s6 =	simm.s32 $_tile_overlayer_lowered  }
0x9b: {  	s22 =	simm.s32 $0x1BFF;
	s21 =	sshll.u32 s6, $0x1;
	s3 =	sadd.s32 s4, s19  }
0x9c: {  	s7 =	simm.s32 $0x0;
	s20 =	sshll.u32 s5, $0x1;
	s5 =	sadd.s32 s21, s3  }
0x9d: {  	[timem:s7], [sflag:s22] =	dma.local [hbm:s5], s20  }
0x9e: {  	_ =	swait.ge [sflag:s22], s20  }
0x9f: {  	s4 =	ssub.s32 $0x0, s20;
	[sflag:s22] =	ssyncset.done $0x0  }
0xa0: {  	[sflag:s22] =	ssyncadd.s32 s4;
	_ =	sdelay $0x1  }
0xa1: {  	s23 =	simm.s32 $0x1B8B  }
0xa2: {  	_ =	swait.ge [sflag:s23], $0x1  }
0xa3: {  	[sflag:s23] =	ssyncset.done $0x0  }
0xa4: {  	s25 =	simm.s32 $0x1B8E;
	s24 =	sld [smem:$0x3FFE];
	[sflag:s23] =	ssyncadd.s32 $0xFFFFFFFF  }
0xa5: {  	s26 =	simm.s32 $execute0_lowered;
	[smem:$0x3FD2] =	sst s25  }
0xa6: {  	s5 =	sshll.u32 s26, $0x1;
	_ =	strace $0x80000049;
	[dreg:$0x1] =	wrdreg $0xFFFFFFFF  }
0xa7: {  	s28 =	simm.s32 $_size_execute0_lowered;
	s3 =	sadd.s32 s3, s5;
	[dreg:$0x0] =	wrdreg $0x0  }
0xa8: {  	s5 =	sshll.u32 s28, $0x1;
	[dreg:$0x2] =	wrdreg s3  }
0xa9: {  	[dreg:$0x3] =	wrdreg s5  }
0xaa: {  	[dreg:$0x4] =	wrdreg $0xC0  }
0xab: {  	_ =	task [dreg:s7], $0x5FFFF  }
0xac: {  	[dreg:$0x1] =	wrdreg $0xFFFFFFFF  }
0xad: {  	[dreg:$0x0] =	wrdreg $0x60  }
0xae: {  	[dreg:$0x2] =	wrdreg s24  }
0xaf: {  	[dreg:$0x3] =	wrdreg s2  }
0xb0: {  	[dreg:$0x4] =	wrdreg $0x6F000  }
0xb1: {  	[dreg:$0x5] =	wrdreg $0x9  }
0xb2: {  	_ =	task.clear_ibuf [dreg:s7], $0x6FFFF;
	_ =	strace $0x90000049  }
0xb3: {  	s29 =	simm.s32 $0x9;
	_ =	strace $0x8000004B  }
0xb4: {  	_ =	swait.ge [sflag:s29], $0x1  }
0xb5: {  	[sflag:s29] =	ssyncadd.s32 $0xFFFFFFFF  }
0xb6: {  	_ =	strace $0x9000004B  }
0xb7: {  	_ =	sfence  }
0xb8: {  	s30 =	sld [smem:$0x0];
	_ =	sdelay $0x2  }
0xb9: {  	s31 =	sshll.u32 s1, $0xD;
	s1 =	sshrl.u32 s1, $0x2  }
0xba: {  	s3 =	sand.u32 $0x4000, s31;
	s1 =	sadd.s32 s1, s30  }
0xbb: {  	s0 =	sor.u32 s3, s0;
	s1 =	sshll.u32 s1, $0x11  }
0xbc: {  	s0 =	sor.u32 s1, s0  }
0xbd: {  	s0 =	sadd.s32 $0x8F2B, s0  }
0xbe: {  	[sflag:s0] =	ssyncadd.remote.s32 $0x1  }
0xbf: {  	_ =	sfence.sel $0xFFFF  }
0xc0: {  	[dreg:$0x0] =	wrdreg $0xFFFFFFFF;
	(pc) =	sbr.abs _section_cstart, $3  }
0xc1: {  	[dreg:$0x1] =	wrdreg $0xFFFFFFFF  }
0xc2: {  	_ =	task.clear_ibuf [dreg:s7], $0x2FFFF;
	_ =	strace $0x9FFFFFFF  }
0xc3: {  	(tm) =	ssettm $0x7FFFFFFF  }
tec
execute0_lowered:
.L_overlay_start_1:
0x0: {  	(tag) =	ssettag $0x1  }
0x1: {  	s1 =	srdreg.scid;
	s6 =	rddreg [dreg:$0x0]  }
0x2: {  	s0 =	stileid.u32;
	s2 =	rddreg [dreg:$0x1]  }
0x3: {  	s3 =	rddreg [dreg:$0x2];
	s4 =	simm.s32 $0x0;
	s14 =	simm.s32 $0x3  }
0x4: {  	s15 =	simm.s32 $0x2780;
	s16 =	simm.s32 $0x80;
	s17 =	simm.s32 $0x4F00  }
0x5: {  	s18 =	simm.s32 $0x5F00;
	s19 =	simm.s32 $0x1;
	s20 =	simm.s32 $0x2  }
0x6: {  	s21 =	simm.s32 $0x4D80;
	s22 =	simm.s32 $0x0;
	s5 =	sand.u32 $0x1, s1  }
0x7: {  	s24 =	sshll.u32 s0, $0x1;
	s1 =	rddreg [dreg:$0x3];
	s9 =	smul.u32 $0x5000, s0  }
0x8: {  	[smem:$0x7FF] =	sst s4;
	s31 =	sshll.u32 s0, $0x6;
	p0 =	sgt.u32 s0, $0x1  }
0x9: {  	s7 =	sor.u32 s5, s24;
	s10 =	smul.u32 $0x50000, s5;
	_ =	strace $0x8000004A  }
0xa: {  	s29 =	ssub.s32 $0x2, s5;
	s5 =	sadd.s32 $0x2200, s6;
	s8 =	smul.u32 $0x4E, s7  }
0xb: {  	s7 =	smin.u32 s7, $0x4;
	s30 =	sshrl.u32 s29, $0x1;
	s13 =	sadd.s32 s9, s3  }
0xc: {  	s25 =	sadd.s32 s9, s10;
	s12 =	ssub.s32 s29, s30;
	s7 =	sadd.s32 s7, s8  }
0xd: {  	s13 =	sshrl.u32 s13, $0x3;
	s28 =	sshrl.u32 s25, $0x3;
	s7 =	sshll.u32 s7, $0x4  }
0xe: {  	s12 =	smax.u32 s12, $0x1;
	s11 =	sadd.s32 s28, s6;
	s26 =	sadd.s32 s7, s6  }
0xf: {  	s6 =	sor.u32 $0x1C03, s31;
	s11 =	sadd.s32 $0x2A400, s11;
	s7 =	sadd.s32 $0x16200, s26  }
0x10: {  	s8 =	sadd.s32 $0x1FE40, s26;
	s9 =	sadd.s32 $0x166E0, s26;
	s10 =	sadd.s32 $0x20320, s26  }
.LBB2_1:
0x11: {  	[spmem:s13], [sflag:s6] =	dma.local [hbm:s2], $0xA00  }
0x12: {  	_ =	swait.ge [sflag:s14], $0xA00  }
0x13: {  	[sflag:s14] =	ssyncset.done $0x0  }
0x14: {  	[sflag:s14] =	ssyncadd.s32 $0xFFFFF600  }
0x15: {  	[tilespmem:s4], [sflag:$0x3] =	stream.linear.gather [hbm4b:s7+s4], $0x2700, $0x38;
	[tilespmem:$0xBF00] =	vst v63  }
0x16: {  	_ =	swait.ge [sflag:s14], $0x2700  }
0x17: {  	[sflag:s14] =	ssyncset.done $0x0  }
0x18: {  	[sflag:s14] =	ssyncadd.s32 $0xFFFFD900  }
0x19: {  	[tilespmem:s15], [sflag:$0x3] =	stream.linear.gather [hbm4b:s8+s4], $0x2700, $0x38;
	[tilespmem:$0xBF00] =	vst v63  }
0x1a: {  	_ =	swait.ge [sflag:s14], $0x2700  }
0x1b: {  	[sflag:s14] =	ssyncset.done $0x0  }
0x1c: {  	s23 =	simm.s32 @!p0 $0x0;
	s24 =	simm.s32 @!p0 $0x2700;
	[sflag:s14] =	ssyncadd.s32 $0xFFFFD900  }
0x1d: {  	[tilespmem:s24], [sflag:$0x3] =	stream.linear.gather @!p0 [hbm4b:s9+s23], $0x80, $0x38;
	[tilespmem:$0xBF00] =	vst v63  }
0x1e: {  	s24 =	simm.s32 @!p0 $0x3  }
0x1f: {  	_ =	swait.ge @!p0 [sflag:s24], $0x80  }
0x20: {  	[sflag:s24] =	ssyncset.done @!p0 $0x0  }
0x21: {  	s25 =	simm.s32 @!p0 $0x4E80;
	[sflag:s24] =	ssyncadd.s32 @!p0 $0xFFFFFF80  }
0x22: {  	[tilespmem:s25], [sflag:$0x3] =	stream.linear.gather @!p0 [hbm4b:s10+s23], $0x80, $0x38;
	[tilespmem:$0xBF00] =	vst v63  }
0x23: {  	_ =	swait.ge @!p0 [sflag:s24], $0x80  }
0x24: {  	[sflag:s24] =	ssyncset.done @!p0 $0x0  }
0x25: {  	[sflag:s24] =	ssyncadd.s32 @!p0 $0xFFFFFF80  }
0x26: {  	[bflag:$0x0] =	sbarrier.arrive $0xFFFF  }
0x27: {  	[tilespmem:s17], [sflag:$0x1] =	stream.indirect.gather [hbm4b:s5+s16], $0x20, s4, s16, $0xb8;
	[tilespmem:$0xBF00] =	vst v63  }
0x28: {  	_ = 	snop  }
0x29: {  	[tilespmem:s18], [sflag:$0x2] =	stream.indirect.gather [hbm4b:s5+s16], $0x20, s16, s16, $0xb8;
	[tilespmem:$0xBF00] =	vst v63  }
0x2a: {  	_ =	swait.ge [sflag:s19], $0x1000  }
0x2b: {  	[sflag:s19] =	ssyncset.done $0x0  }
0x2c: {  	s29 =	simm.s32 $0x2780;
	[sflag:s19] =	ssyncadd.s32 $0xFFFFF000  }
0x2d: {  	[spmem:s3] =	stream.indirect.scatter.add.f32 [tilespmem:s17], [sflag:$0x3], $0x20, s29, s16, $0xb8;
	[tilespmem:$0xBF00] =	vst v63  }
0x2e: {  	_ =	swait.ge [sflag:s14], $0x1000  }
0x2f: {  	[sflag:s14] =	ssyncset.done $0x0  }
0x30: {  	s30 =	simm.s32 $0x100;
	[sflag:s14] =	ssyncadd.s32 $0xFFFFF000  }
0x31: {  	[tilespmem:s17], [sflag:$0x1] =	stream.indirect.gather [hbm4b:s5+s16], $0x20, s30, s16, $0xb8;
	[tilespmem:$0xBF00] =	vst v63  }
0x32: {  	_ =	swait.ge [sflag:s20], $0x1000  }
0x33: {  	[sflag:s20] =	ssyncset.done $0x0  }
0x34: {  	s31 =	simm.s32 $0x2800;
	[sflag:s20] =	ssyncadd.s32 $0xFFFFF000  }
0x35: {  	[spmem:s3] =	stream.indirect.scatter.add.f32 [tilespmem:s18], [sflag:$0x3], $0x20, s31, s16, $0xb8;
	[tilespmem:$0xBF00] =	vst v63  }
0x36: {  	_ =	swait.ge [sflag:s14], $0x1000  }
0x37: {  	[sflag:s14] =	ssyncset.done $0x0  }
0x38: {  	s23 =	simm.s32 $0x400;
	s24 =	simm.s32 $0x180;
	[sflag:s14] =	ssyncadd.s32 $0xFFFFF000  }
.LBB2_2:
0x39: {  	[tilespmem:s18], [sflag:$0x2] =	stream.indirect.gather [hbm4b:s5+s16], $0x20, s24, s16, $0xb8;
	[tilespmem:$0xBF00] =	vst v63  }
0x3a: {  	s24 =	smov.u32 s23  }
0x3b: {  	p1 =	sne.s32 s23, $0x9400;
	s23 =	sadd.s32 $0x400, s23;
	_ =	swait.ge [sflag:s19], $0x1000  }
0x3c: {  	s24 =	sshra.s32 s24, $0x2;
	[sflag:s19] =	ssyncset.done $0x0  }
0x3d: {  	s25 =	sadd.s32 $0x2780, s24;
	[sflag:s19] =	ssyncadd.s32 $0xFFFFF000  }
0x3e: {  	[spmem:s3] =	stream.indirect.scatter.add.f32 [tilespmem:s17], [sflag:$0x3], $0x20, s25, s16, $0xb8;
	[tilespmem:$0xBF00] =	vst v63  }
0x3f: {  	_ =	swait.ge [sflag:s14], $0x1000  }
0x40: {  	[sflag:s14] =	ssyncset.done $0x0  }
0x41: {  	s25 =	sadd.s32 $0x100, s24;
	[sflag:s14] =	ssyncadd.s32 $0xFFFFF000  }
0x42: {  	[tilespmem:s17], [sflag:$0x1] =	stream.indirect.gather [hbm4b:s5+s16], $0x20, s25, s16, $0xb8;
	[tilespmem:$0xBF00] =	vst v63  }
0x43: {  	_ =	swait.ge [sflag:s20], $0x1000  }
0x44: {  	[sflag:s20] =	ssyncset.done $0x0  }
.Ltmp0:
0x45: {  	s25 =	sadd.s32 $0x2800, s24;
	[sflag:s20] =	ssyncadd.s32 $0xFFFFF000;
	(pc) =	sbr.rel @p1 .LBB2_2-.Ltmp0, $4  }
0x46: {  	[spmem:s3] =	stream.indirect.scatter.add.f32 [tilespmem:s18], [sflag:$0x3], $0x20, s25, s16, $0xb8;
	[tilespmem:$0xBF00] =	vst v63  }
0x47: {  	_ =	swait.ge [sflag:s14], $0x1000  }
0x48: {  	[sflag:s14] =	ssyncset.done $0x0  }
0x49: {  	s24 =	sadd.s32 $0x180, s24;
	[sflag:s14] =	ssyncadd.s32 $0xFFFFF000  }
0x4a: {  	[tilespmem:s18], [sflag:$0x2] =	stream.indirect.gather [hbm4b:s5+s16], $0x20, s24, s16, $0xb8;
	[tilespmem:$0xBF00] =	vst v63  }
0x4b: {  	_ =	swait.ge [sflag:s19], $0x1000  }
0x4c: {  	[sflag:s19] =	ssyncset.done $0x0  }
0x4d: {  	[sflag:s19] =	ssyncadd.s32 $0xFFFFF000  }
0x4e: {  	[spmem:s3] =	stream.indirect.scatter.add.f32 [tilespmem:s17], [sflag:$0x3], $0x20, s21, s16, $0xb8;
	[tilespmem:$0xBF00] =	vst v63  }
0x4f: {  	_ =	swait.ge [sflag:s14], $0x1000  }
0x50: {  	[sflag:s14] =	ssyncset.done $0x0  }
0x51: {  	s23 =	simm.s32 @p0 $0x2;
	[sflag:s14] =	ssyncadd.s32 $0xFFFFF000  }
0x52: {  	_ =	swait.ge @p0 [sflag:s23], $0x1000  }
0x53: {  	s24 =	simm.s32 @p0 $0x4E00;
	[sflag:s23] =	ssyncset.done @p0 $0x0  }
0x54: {  	s25 =	simm.s32 @p0 $0x5F00;
	[sflag:s23] =	ssyncadd.s32 @p0 $0xFFFFF000;
	s23 =	simm.s32 @p0 $0x80  }
0x55: {  	[spmem:s3] =	stream.indirect.scatter.add.f32 @p0 [tilespmem:s25], [sflag:$0x3], $0x20, s24, s23, $0xb8;
	[tilespmem:$0xBF00] =	vst v63  }
0x56: {  	s23 =	simm.s32 @!p0 $0x80;
	s24 =	simm.s32 @!p0 $0x2700;
	s25 =	simm.s32 @!p0 $0x4F00  }
0x57: {  	[tilespmem:s25], [sflag:$0x1] =	stream.indirect.gather @!p0 [hbm4b:s5+s23], $0x20, s24, s23, $0xb8;
	[tilespmem:$0xBF00] =	vst v63  }
0x58: {  	s24 =	simm.s32 @!p0 $0x2  }
0x59: {  	_ =	swait.ge @!p0 [sflag:s24], $0x1000  }
0x5a: {  	[sflag:s24] =	ssyncset.done @!p0 $0x0  }
0x5b: {  	s26 =	simm.s32 @!p0 $0x5F00;
	[sflag:s24] =	ssyncadd.s32 @!p0 $0xFFFFF000;
	s24 =	simm.s32 @!p0 $0x4E00  }
0x5c: {  	[spmem:s3] =	stream.indirect.scatter.add.f32 @!p0 [tilespmem:s26], [sflag:$0x3], $0x20, s24, s23, $0xb8;
	[tilespmem:$0xBF00] =	vst v63  }
0x5d: {  	s24 =	simm.s32 @!p0 $0x3  }
0x5e: {  	_ =	swait.ge @!p0 [sflag:s24], $0x1000  }
0x5f: {  	[sflag:s24] =	ssyncset.done @!p0 $0x0  }
0x60: {  	[sflag:s24] =	ssyncadd.s32 @!p0 $0xFFFFF000;
	s24 =	simm.s32 @!p0 $0x1  }
0x61: {  	_ =	swait.ge @!p0 [sflag:s24], $0x1000  }
0x62: {  	[sflag:s24] =	ssyncset.done @!p0 $0x0  }
0x63: {  	[sflag:s24] =	ssyncadd.s32 @!p0 $0xFFFFF000;
	s24 =	simm.s32 @!p0 $0x4E80  }
0x64: {  	[spmem:s3] =	stream.indirect.scatter.add.f32 @!p0 [tilespmem:s25], [sflag:$0x3], $0x20, s24, s23, $0xb8;
	[tilespmem:$0xBF00] =	vst v63  }
0x65: {  	_ =	swait.ge [sflag:s14], $0x1000  }
0x66: {  	s22 =	sadd.s32 $0x1, s22;
	[sflag:s14] =	ssyncset.done $0x0  }
0x67: {  	p1 =	sne.s32 s22, s12;
	[sflag:s14] =	ssyncadd.s32 $0xFFFFF000  }
.Ltmp1:
0x68: {  	[bflag:$0x0] =	sbarrier.arrive $0xFFFF;
	(pc) =	sbr.rel @p1 .LBB2_1-.Ltmp1, $4  }
0x69: {  	[hbm:s11], [sflag:s6] =	dma.local [spmem:s13], $0xA00  }
0x6a: {  	_ =	swait.ge [sflag:s14], $0xA00  }
0x6b: {  	[sflag:s14] =	ssyncset.done $0x0  }
0x6c: {  	[sflag:s14] =	ssyncadd.s32 $0xFFFFF600  }
0x6d: {  	_ =	sfence.sel $0x180000  }
0x6e: {  	[bflag:$0x0] =	sbarrier.arrive $0xFFFF  }
0x6f: {  	p0 =	sne.s32 s0, $0x0;
	_ =	strace $0x9000004A  }
0x70: {  	s0 =	sadd.s32 @!p0 $0x100000, s1;
	[bflag:$0x2] =	sbarrier.arrive $0xFFFF  }
0x71: {  	[sflag:s0] =	ssyncadd.tile.s32 @!p0 $0x1;
	_ =	shalt  }
.Lfunc_end2:
_tile_overlayer_lowered:
.L_overlay_start_2:
0x72: {  	(tag) =	ssettag $0x2  }
0x73: {  	s0 =	rddreg [dreg:$0x0];
	s2 =	stileid.u32  }
0x74: {  	s1 =	rddreg [dreg:$0x1];
	p0 =	sne.s32 s2, $0x0  }
0x75: {  	s3 =	rddreg [dreg:$0x2];
	[bflag:$0x3] =	sbarrier.arrive $0xFFFF;
	s2 =	simm.s32 @!p0 $0x1C03  }
0x76: {  	[timem:s3], [sflag:s2] =	dma.local @!p0 [hbm:s0], s1  }
0x77: {  	s0 =	simm.s32 @!p0 $0x3  }
0x78: {  	_ =	swait.ge @!p0 [sflag:s0], s1  }
0x79: {  	s1 =	ssub.s32 @!p0 $0x0, s1;
	[sflag:s0] =	ssyncset.done @!p0 $0x0  }
0x7a: {  	[sflag:s0] =	ssyncadd.s32 @!p0 s1  }
0x7b: {  	[bflag:$0x3] =	sbarrier.arrive $0xFFFF  }
0x7c: {  	_ =	shalt  }

// kernel: kernel.7.cloned.1.call-start
scs
__scs_entry_jumppad:
0x0: {  	(pc) =	sbr.rel $0x88, $3  }
0x1: {  	(tag) =	ssettag $0x0;
	lr =	simm.s32 $0x1  }
0x2: {  	[smem:$0x3F99] =	sst lr;
	_ =	strace $0xD0000000  }
0x3: {  	_ = 	snop  }
0x4: {  	_ = 	snop  }
0x5: {  	_ = 	snop  }
0x6: {  	_ = 	snop  }
0x7: {  	_ = 	snop  }
__scs_overlays_trampoline_lowered:
0x8: {  	[smem:$0x3FA8] =	sst s0  }
0x9: {  	[smem:$0x3FA9] =	sst s1  }
0xa: {  	[smem:$0x3FAA] =	sst s2  }
0xb: {  	[smem:$0x3FAB] =	sst s3  }
0xc: {  	[smem:$0x3FAC] =	sst s4  }
0xd: {  	[smem:$0x3FAD] =	sst s5  }
0xe: {  	[smem:$0x3FAE] =	sst s6  }
0xf: {  	[smem:$0x3FAF] =	sst s7  }
0x10: {  	[smem:$0x3FB0] =	sst s8  }
0x11: {  	[smem:$0x3FB1] =	sst s9;
	s0 =	simm.s32 @!p0 $0x0  }
0x12: {  	s1 =	sld [smem:$0x3F97];
	s0 =	simm.s32 @p0 $0x1  }
0x13: {  	[smem:$0x3FB2] =	sst s0;
	s0 =	simm.s32 @!p1 $0x0  }
0x14: {  	s2 =	sld [smem:$0x3F96];
	s0 =	simm.s32 @p1 $0x1  }
0x15: {  	[smem:$0x3FB3] =	sst s0;
	s0 =	simm.s32 @!p2 $0x0  }
0x16: {  	s3 =	sld [smem:$0x3FDB];
	s0 =	simm.s32 @p2 $0x1  }
0x17: {  	s4 =	simm.s32 $0x1BF5;
	[smem:$0x3FB5] =	sst s0  }
0x18: {  	s0 =	sld [smem:$0x3F98];
	_ =	swait.ge [sflag:s4], $0x0  }
0x19: {  	s7 =	sld [smem:$0x3F99]  }
0x1a: {  	s8 =	sadd.s32 $0xFFFFE003, lr  }
0x1b: {  	s9 =	sadd.s32 $0xFFFFFEF7, lr;
	s5 =	simm.s32 $0xFFFFFFFF;
	p2 =	slt.u32 s8, $0xFFFFF086  }
0x1c: {  	p1 =	slt.u32 s9, $0xF7A;
	s5 =	simm.s32 @!p2 $0x0  }
0x1d: {  	s5 =	simm.s32 @p1 $0x1;
	p0 =	seq.s32 s7, s2  }
0x1e: {  	s7 =	smul.u32 @!p0 $0xF7A, s2;
	p2 =	seq.s32 @!p0 s5, $0x0  }
0x1f: {  	s9 =	smul.u32 $0xF7A, s1;
	s8 =	simm.s32 @!p0 $0x1BF5;
	p2 =	por !p2, p0  }
0x20: {  	[sflag:s8] =	ssyncset.s32 @!p0 $0xFFFFF086;
	s6 =	sadd.s32 @!p0 s3, s7;
	s7 =	simm.s32 @!p0 $0x108  }
0x21: {  	s3 =	sadd.s32 s3, s9;
	s6 =	sadd.s32 @!p0 $0x88, s6;
	s7 =	simm.s32 @p2 $0x1082  }
0x22: {  	[simem:s7], [sflag:s8] =	dma.local @!p0 [hbm:s6], $0xF7A  }
0x23: {  	s9 =	sor.u32 $0xD0000000, s2;
	s6 =	simm.s32 $0x108;
	_ =	swait.ge @!p0 [sflag:s8], $0x0  }
0x24: {  	s3 =	sadd.s32 $0x88, s3;
	s6 =	simm.s32 @!p1 $0x1082;
	[sflag:s4] =	ssyncset.s32 $0xFFFFF086  }
0x25: {  	[simem:s6], [sflag:s4] =	dma.local [hbm:s3], $0xF7A  }
0x26: {  	[smem:$0x3F99] =	sst s1;
	(tag) =	ssettag s2;
	_ =	strace s9  }
0x27: {  	s1 =	sld [smem:$0x3FA9]  }
0x28: {  	s2 =	sld [smem:$0x3FAA]  }
0x29: {  	s4 =	sld [smem:$0x3FAC]  }
0x2a: {  	p0 =	seq.s32 s5, $0x0;
	s5 =	sld [smem:$0x3FAD]  }
0x2b: {  	s6 =	sld [smem:$0x3FAE]  }
0x2c: {  	s7 =	sld [smem:$0x3FAF]  }
0x2d: {  	s3 =	simm.s32 $0x108;
	s8 =	sld [smem:$0x3FB0]  }
0x2e: {  	s3 =	simm.s32 @!p0 $0x1082;
	s9 =	sld [smem:$0x3FB1]  }
0x2f: {  	lr =	sadd.s32 s0, s3;
	s0 =	sld [smem:$0x3FA8]  }
0x30: {  	s3 =	sld [smem:$0x3FAB]  }
0x31: {  	[smem:$0x3FB4] =	sst s10  }
0x32: {  	s10 =	sld [smem:$0x3FB2];
	_ =	sdelay $0x3  }
0x33: {  	p0 =	seq.s32 s10, $0x1;
	s10 =	sld [smem:$0x3FB4];
	_ =	sdelay $0x3  }
0x34: {  	[smem:$0x3FB4] =	sst s10  }
0x35: {  	s10 =	sld [smem:$0x3FB3];
	_ =	sdelay $0x3  }
0x36: {  	p1 =	seq.s32 s10, $0x1;
	s10 =	sld [smem:$0x3FB4];
	_ =	sdelay $0x3  }
0x37: {  	[smem:$0x3FB4] =	sst s10  }
0x38: {  	s10 =	sld [smem:$0x3FB5]  }
0x39: {  	_ = 	snop;
	(pc) =	sbr.ind lr, $3  }
0x3a: {  	_ = 	snop  }
0x3b: {  	_ = 	snop  }
0x3c: {  	p2 =	seq.s32 s10, $0x1;
	s10 =	sld [smem:$0x3FB4]  }
0x3d: {  	_ =	shalt  }
0x3e: {  	_ =	shalt  }
0x3f: {  	_ =	shalt  }
0x40: {  	_ =	shalt  }
0x41: {  	_ =	shalt  }
0x42: {  	_ =	shalt  }
0x43: {  	_ =	shalt  }
0x44: {  	_ =	shalt  }
0x45: {  	_ =	shalt  }
0x46: {  	_ =	shalt  }
0x47: {  	_ =	shalt  }
0x48: {  	_ =	shalt  }
0x49: {  	_ =	shalt  }
0x4a: {  	_ =	shalt  }
0x4b: {  	_ =	shalt  }
0x4c: {  	_ =	shalt  }
0x4d: {  	_ =	shalt  }
0x4e: {  	_ =	shalt  }
0x4f: {  	_ =	shalt  }
0x50: {  	_ =	shalt  }
0x51: {  	_ =	shalt  }
0x52: {  	_ =	shalt  }
0x53: {  	_ =	shalt  }
0x54: {  	_ =	shalt  }
0x55: {  	_ =	shalt  }
0x56: {  	_ =	shalt  }
0x57: {  	_ =	shalt  }
0x58: {  	_ =	shalt  }
0x59: {  	_ =	shalt  }
0x5a: {  	_ =	shalt  }
0x5b: {  	_ =	shalt  }
0x5c: {  	_ =	shalt  }
0x5d: {  	_ =	shalt  }
0x5e: {  	_ =	shalt  }
0x5f: {  	_ =	shalt  }
0x60: {  	_ =	shalt  }
0x61: {  	_ =	shalt  }
0x62: {  	_ =	shalt  }
0x63: {  	_ =	shalt  }
0x64: {  	_ =	shalt  }
0x65: {  	_ =	shalt  }
0x66: {  	_ =	shalt  }
0x67: {  	_ =	shalt  }
0x68: {  	_ =	shalt  }
0x69: {  	_ =	shalt  }
0x6a: {  	_ =	shalt  }
0x6b: {  	_ =	shalt  }
0x6c: {  	_ =	shalt  }
0x6d: {  	_ =	shalt  }
0x6e: {  	_ =	shalt  }
0x6f: {  	_ =	shalt  }
0x70: {  	_ =	shalt  }
0x71: {  	_ =	shalt  }
0x72: {  	_ =	shalt  }
0x73: {  	_ =	shalt  }
0x74: {  	_ =	shalt  }
0x75: {  	_ =	shalt  }
0x76: {  	_ =	shalt  }
0x77: {  	_ =	shalt  }
0x78: {  	_ =	shalt  }
0x79: {  	_ =	shalt  }
0x7a: {  	_ =	shalt  }
0x7b: {  	_ =	shalt  }
0x7c: {  	_ =	shalt  }
0x7d: {  	_ =	shalt  }
0x7e: {  	_ =	shalt  }
0x7f: {  	_ =	shalt  }
0x80: {  	_ =	shalt  }
0x81: {  	_ =	shalt  }
0x82: {  	_ =	shalt  }
0x83: {  	_ =	shalt  }
0x84: {  	_ =	shalt  }
0x85: {  	_ =	shalt  }
0x86: {  	_ =	shalt  }
0x87: {  	_ =	shalt  }
.Lfunc_end0:
.L_simem_size_0:
called_computation_lowered:
.L_overlay_start_0:
0x88: {  	s2 =	sld [smem:$0x3FD9]  }
0x89: {  	s3 =	sld [smem:$0x3FFE];
	_ =	sdelay $0x1  }
0x8a: {  	s1 =	srdreg.scid  }
0x8b: {  	s0 =	sand.u32 $0x1, s1  }
0x8c: {  	s17 =	sshll.u32 s0, $0xA;
	s2 =	sadd.s32 s3, s2  }
0x8d: {  	s2 =	sadd.s32 s2, s17  }
0x8e: {  	[smem:$0x3FC0] =	sst s2  }
0x8f: {  	_ = 	snop  }
0x90: {  	s2 =	sld [smem:$0x3FD0];
	(tm) =	ssettm $0x1  }
0x91: {  	s18 =	sld [smem:$0x3FFB];
	_ =	sdelay $0x3  }
0x92: {  	_ =	strace s18  }
0x93: {  	s3 =	sld [smem:$0x3FFC];
	_ =	sdelay $0x3  }
0x94: {  	_ =	strace s3  }
0x95: {  	s3 =	sld [smem:$0x3FFD];
	_ =	sdelay $0x3  }
0x96: {  	_ =	strace s3  }
0x97: {  	_ =	strace $0x8FFFFFFF  }
0x98: {  	s19 =	sld [smem:$0x3FDB];
	_ =	sdelay $0x1  }
0x99: {  	s4 =	simm.s32 $_scs_section_size  }
0x9a: {  	s5 =	simm.s32 $_size__tile_overlayer_lowered;
	s6 =	simm.s32 $_tile_overlayer_lowered  }
0x9b: {  	s22 =	simm.s32 $0x1BFF;
	s21 =	sshll.u32 s6, $0x1;
	s3 =	sadd.s32 s4, s19  }
0x9c: {  	s7 =	simm.s32 $0x0;
	s20 =	sshll.u32 s5, $0x1;
	s5 =	sadd.s32 s21, s3  }
0x9d: {  	[timem:s7], [sflag:s22] =	dma.local [hbm:s5], s20  }
0x9e: {  	_ =	swait.ge [sflag:s22], s20  }
0x9f: {  	s4 =	ssub.s32 $0x0, s20;
	[sflag:s22] =	ssyncset.done $0x0  }
0xa0: {  	[sflag:s22] =	ssyncadd.s32 s4;
	_ =	sdelay $0x1  }
0xa1: {  	s23 =	simm.s32 $0x1B8B  }
0xa2: {  	_ =	swait.ge [sflag:s23], $0x1  }
0xa3: {  	[sflag:s23] =	ssyncset.done $0x0  }
0xa4: {  	s25 =	simm.s32 $0x1B8E;
	s24 =	sld [smem:$0x3FFE];
	[sflag:s23] =	ssyncadd.s32 $0xFFFFFFFF  }
0xa5: {  	s26 =	simm.s32 $execute0_lowered;
	[smem:$0x3FD2] =	sst s25  }
0xa6: {  	s5 =	sshll.u32 s26, $0x1;
	_ =	strace $0x80000046;
	[dreg:$0x1] =	wrdreg $0xFFFFFFFF  }
0xa7: {  	s28 =	simm.s32 $_size_execute0_lowered;
	s3 =	sadd.s32 s3, s5;
	[dreg:$0x0] =	wrdreg $0x0  }
0xa8: {  	s5 =	sshll.u32 s28, $0x1;
	[dreg:$0x2] =	wrdreg s3  }
0xa9: {  	[dreg:$0x3] =	wrdreg s5  }
0xaa: {  	[dreg:$0x4] =	wrdreg $0xC0  }
0xab: {  	_ =	task [dreg:s7], $0x5FFFF  }
0xac: {  	[dreg:$0x1] =	wrdreg $0xFFFFFFFF  }
0xad: {  	[dreg:$0x0] =	wrdreg $0x60  }
0xae: {  	[dreg:$0x2] =	wrdreg s24  }
0xaf: {  	[dreg:$0x3] =	wrdreg s2  }
0xb0: {  	[dreg:$0x4] =	wrdreg $0x8F000  }
0xb1: {  	[dreg:$0x5] =	wrdreg $0x137000  }
0xb2: {  	[dreg:$0x6] =	wrdreg $0x9  }
0xb3: {  	_ =	task.clear_ibuf [dreg:s7], $0x7FFFF;
	_ =	strace $0x90000046  }
0xb4: {  	s29 =	simm.s32 $0x9;
	_ =	strace $0x80000048  }
0xb5: {  	_ =	swait.ge [sflag:s29], $0x1  }
0xb6: {  	[sflag:s29] =	ssyncadd.s32 $0xFFFFFFFF  }
0xb7: {  	_ =	strace $0x90000048  }
0xb8: {  	_ =	sfence  }
0xb9: {  	s30 =	sld [smem:$0x0];
	_ =	sdelay $0x2  }
0xba: {  	s31 =	sshll.u32 s1, $0xD;
	s1 =	sshrl.u32 s1, $0x2  }
0xbb: {  	s3 =	sand.u32 $0x4000, s31;
	s1 =	sadd.s32 s1, s30  }
0xbc: {  	s0 =	sor.u32 s3, s0;
	s1 =	sshll.u32 s1, $0x11  }
0xbd: {  	s0 =	sor.u32 s1, s0  }
0xbe: {  	s0 =	sadd.s32 $0x8F2B, s0  }
0xbf: {  	[sflag:s0] =	ssyncadd.remote.s32 $0x1  }
0xc0: {  	_ =	sfence.sel $0xFFFF  }
0xc1: {  	[dreg:$0x0] =	wrdreg $0xFFFFFFFF;
	(pc) =	sbr.abs _section_cstart, $3  }
0xc2: {  	[dreg:$0x1] =	wrdreg $0xFFFFFFFF  }
0xc3: {  	_ =	task.clear_ibuf [dreg:s7], $0x2FFFF;
	_ =	strace $0x9FFFFFFF  }
0xc4: {  	(tm) =	ssettm $0x7FFFFFFF  }
0xc5: {  	_ =	shalt  }
tec
execute0_lowered:
.L_overlay_start_1:
0x0: {  	(tag) =	ssettag $0x1  }
0x1: {  	s0 =	srdreg.scid  }
0x2: {  	s2 =	stileid.u32;
	s1 =	rddreg [dreg:$0x0]  }
0x3: {  	s4 =	rddreg [dreg:$0x3];
	s19 =	simm.s32 $0x4;
	s21 =	simm.s32 $0x12F00  }
0x4: {  	s23 =	simm.s32 $0x80;
	s28 =	simm.s32 $0x2;
	s29 =	simm.s32 $0x4D80  }
0x5: {  	s30 =	simm.s32 $0x3;
	s31 =	simm.s32 $0x0;
	s10 =	smul.u32 $0xA000, s2  }
0x6: {  	s0 =	sand.u32 $0x1, s0;
	s3 =	sshll.u32 s2, $0x1;
	s11 =	smul.u32 $0x2800, s2  }
0x7: {  	s24 =	sadd.s32 $0x29C00, s1;
	p0 =	slt.u32 s2, $0x2;
	s8 =	smul.u32 $0xA0000, s0  }
0x8: {  	s26 =	sshll.u32 s2, $0x6;
	s5 =	sor.u32 s0, s3;
	s9 =	smul.u32 $0x28000, s0  }
0x9: {  	s3 =	rddreg [dreg:$0x2];
	s0 =	ssub.s32 $0x2, s0;
	s6 =	smul.u32 $0x4E, s5  }
0xa: {  	s7 =	smin.u32 s5, $0x4;
	s5 =	simm.s32 $0x0;
	s25 =	sshrl.u32 s0, $0x1  }
0xb: {  	s18 =	sadd.s32 s10, s3;
	s20 =	sadd.s32 s11, s4;
	[smem:$0x7FF] =	sst s5  }
0xc: {  	s12 =	sadd.s32 s10, s8;
	s9 =	sadd.s32 s11, s9;
	s8 =	sadd.s32 $0x2A200, s1  }
0xd: {  	s0 =	ssub.s32 s0, s25;
	s10 =	sor.u32 $0x1C04, s26;
	s18 =	sshrl.u32 s18, $0x3  }
0xe: {  	s20 =	sshrl.u32 s20, $0x3;
	s25 =	simm.s32 $0x6F00;
	s26 =	simm.s32 $0x1  }
0xf: {  	s6 =	sadd.s32 s7, s6;
	_ =	strace $0x80000047;
	[dreg:$0x5] =	wrdreg s24  }
0x10: {  	s12 =	sshrl.u32 s12, $0x3;
	s9 =	sshrl.u32 s9, $0x3;
	s6 =	sshll.u32 s6, $0x4  }
0x11: {  	s17 =	smax.u32 s0, $0x1;
	s15 =	sadd.s32 s12, s1;
	s14 =	sadd.s32 s6, s1  }
0x12: {  	s6 =	sadd.s32 $0x2200, s1;
	s1 =	sadd.s32 s9, s1;
	s9 =	simm.s32 $0x4F  }
0x13: {  	s24 =	simm.s32 $0x4F00;
	s15 =	sadd.s32 $0x34400, s15;
	s9 =	simm.s32 @!p0 $0x4E  }
0x14: {  	s11 =	sadd.s32 $0x16200, s14;
	s12 =	sadd.s32 $0x1FE40, s14;
	s13 =	sadd.s32 $0x166E0, s14  }
0x15: {  	s14 =	sadd.s32 $0x20320, s14;
	s16 =	sadd.s32 $0x2A400, s1;
	p0 =	sgt.u32 s2, $0x1  }
.LBB2_1:
0x16: {  	s0 =	rddreg [dreg:$0x1]  }
0x17: {  	[spmem:s18], [sflag:s10] =	dma.local [hbm:s0], $0x1400  }
0x18: {  	_ =	swait.ge [sflag:s19], $0x1400  }
0x19: {  	[sflag:s19] =	ssyncset.done $0x0  }
0x1a: {  	s22 =	rddreg [dreg:$0x5];
	[sflag:s19] =	ssyncadd.s32 $0xFFFFEC00  }
0x1b: {  	[spmem:s20], [sflag:s10] =	dma.local [hbm:s22], $0x500  }
0x1c: {  	_ =	swait.ge [sflag:s19], $0x500  }
0x1d: {  	[sflag:s19] =	ssyncset.done $0x0  }
0x1e: {  	[sflag:s19] =	ssyncadd.s32 $0xFFFFFB00  }
0x1f: {  	[tilespmem:s21], [sflag:$0x4] =	stream.linear.gather [hbm4b:s8+s5], $0x800, $0x38;
	[tilespmem:$0x15F00] =	vst v63  }
0x20: {  	_ =	swait.ge [sflag:s19], $0x800  }
0x21: {  	[sflag:s19] =	ssyncset.done $0x0  }
0x22: {  	[sflag:s19] =	ssyncadd.s32 $0xFFFFF800  }
0x23: {  	[tilespmem:s5], [sflag:$0x4] =	stream.linear.gather [hbm4b:s11+s5], $0x2700, $0x38;
	[tilespmem:$0x15F00] =	vst v63  }
0x24: {  	_ =	swait.ge [sflag:s19], $0x2700  }
0x25: {  	[sflag:s19] =	ssyncset.done $0x0  }
0x26: {  	s1 =	simm.s32 $0x2780;
	[sflag:s19] =	ssyncadd.s32 $0xFFFFD900  }
0x27: {  	[tilespmem:s1], [sflag:$0x4] =	stream.linear.gather [hbm4b:s12+s5], $0x2700, $0x38;
	[tilespmem:$0x15F00] =	vst v63  }
0x28: {  	_ =	swait.ge [sflag:s19], $0x2700  }
0x29: {  	[sflag:s19] =	ssyncset.done $0x0  }
0x2a: {  	s0 =	simm.s32 @!p0 $0x0;
	s1 =	simm.s32 @!p0 $0x2700;
	[sflag:s19] =	ssyncadd.s32 $0xFFFFD900  }
0x2b: {  	[tilespmem:s1], [sflag:$0x4] =	stream.linear.gather @!p0 [hbm4b:s13+s0], $0x80, $0x38;
	[tilespmem:$0x15F00] =	vst v63  }
0x2c: {  	s1 =	simm.s32 @!p0 $0x4  }
0x2d: {  	_ =	swait.ge @!p0 [sflag:s1], $0x80  }
0x2e: {  	[sflag:s1] =	ssyncset.done @!p0 $0x0  }
0x2f: {  	s2 =	simm.s32 @!p0 $0x4E80;
	[sflag:s1] =	ssyncadd.s32 @!p0 $0xFFFFFF80  }
0x30: {  	[tilespmem:s2], [sflag:$0x4] =	stream.linear.gather @!p0 [hbm4b:s14+s0], $0x80, $0x38;
	[tilespmem:$0x15F00] =	vst v63  }
0x31: {  	_ =	swait.ge @!p0 [sflag:s1], $0x80  }
0x32: {  	[sflag:s1] =	ssyncset.done @!p0 $0x0  }
0x33: {  	[sflag:s1] =	ssyncadd.s32 @!p0 $0xFFFFFF80  }
0x34: {  	[bflag:$0x0] =	sbarrier.arrive $0xFFFF  }
0x35: {  	[tilespmem:s24], [sflag:$0x1] =	stream.indirect.gather [hbm4b:s6+s23], $0x40, s5, s23, $0xb8;
	[tilespmem:$0x15F00] =	vst v63  }
0x36: {  	_ = 	snop  }
0x37: {  	[tilespmem:s25], [sflag:$0x2] =	stream.indirect.gather [hbm4b:s6+s23], $0x40, s23, s23, $0xb8;
	[tilespmem:$0x15F00] =	vst v63  }
0x38: {  	_ =	swait.ge [sflag:s26], $0x2000  }
0x39: {  	[sflag:s26] =	ssyncset.done $0x0  }
0x3a: {  	s2 =	simm.s32 $0x2780;
	[sflag:s26] =	ssyncadd.s32 $0xFFFFE000  }
0x3b: {  	[spmem:s4] =	stream.indirect.scatter.add.f32 [tilespmem:s21], [sflag:$0x3], $0x10, s2, s23, $0xb8;
	[tilespmem:$0x15F00] =	vst v63  }
0x3c: {  	_ = 	snop  }
0x3d: {  	[spmem:s3] =	stream.indirect.scatter.add.f32 [tilespmem:s24], [sflag:$0x4], $0x40, s2, s23, $0xb8;
	[tilespmem:$0x15F00] =	vst v63  }
0x3e: {  	_ =	swait.ge [sflag:s19], $0x2000  }
0x3f: {  	[sflag:s19] =	ssyncset.done $0x0  }
0x40: {  	s7 =	simm.s32 $0x100;
	[sflag:s19] =	ssyncadd.s32 $0xFFFFE000  }
0x41: {  	[tilespmem:s24], [sflag:$0x1] =	stream.indirect.gather [hbm4b:s6+s23], $0x40, s7, s23, $0xb8;
	[tilespmem:$0x15F00] =	vst v63  }
0x42: {  	_ =	swait.ge [sflag:s28], $0x2000  }
0x43: {  	[sflag:s28] =	ssyncset.done $0x0  }
0x44: {  	s22 =	simm.s32 $0x2800;
	[sflag:s28] =	ssyncadd.s32 $0xFFFFE000  }
0x45: {  	[spmem:s4] =	stream.indirect.scatter.add.f32 [tilespmem:s21], [sflag:$0x3], $0x10, s22, s23, $0xb8;
	[tilespmem:$0x15F00] =	vst v63  }
0x46: {  	_ = 	snop  }
0x47: {  	[spmem:s3] =	stream.indirect.scatter.add.f32 [tilespmem:s25], [sflag:$0x4], $0x40, s22, s23, $0xb8;
	[tilespmem:$0x15F00] =	vst v63  }
0x48: {  	_ =	swait.ge [sflag:s19], $0x2000  }
0x49: {  	[sflag:s19] =	ssyncset.done $0x0  }
0x4a: {  	s0 =	simm.s32 $0x180;
	s1 =	simm.s32 $0x400;
	[sflag:s19] =	ssyncadd.s32 $0xFFFFE000  }
.LBB2_2:
0x4b: {  	[tilespmem:s25], [sflag:$0x2] =	stream.indirect.gather [hbm4b:s6+s23], $0x40, s0, s23, $0xb8;
	[tilespmem:$0x15F00] =	vst v63  }
0x4c: {  	s0 =	smov.u32 s1  }
0x4d: {  	p1 =	sne.s32 s1, $0x9400;
	s1 =	sadd.s32 $0x400, s1;
	_ =	swait.ge [sflag:s26], $0x2000  }
0x4e: {  	s0 =	sshra.s32 s0, $0x2;
	[sflag:s26] =	ssyncset.done $0x0  }
0x4f: {  	s2 =	sadd.s32 $0x2780, s0;
	[sflag:s26] =	ssyncadd.s32 $0xFFFFE000  }
0x50: {  	[spmem:s4] =	stream.indirect.scatter.add.f32 [tilespmem:s21], [sflag:$0x3], $0x10, s2, s23, $0xb8;
	[tilespmem:$0x15F00] =	vst v63  }
0x51: {  	_ = 	snop  }
0x52: {  	[spmem:s3] =	stream.indirect.scatter.add.f32 [tilespmem:s24], [sflag:$0x4], $0x40, s2, s23, $0xb8;
	[tilespmem:$0x15F00] =	vst v63  }
0x53: {  	_ =	swait.ge [sflag:s19], $0x2000  }
0x54: {  	[sflag:s19] =	ssyncset.done $0x0  }
0x55: {  	s2 =	sadd.s32 $0x100, s0;
	[sflag:s19] =	ssyncadd.s32 $0xFFFFE000  }
0x56: {  	[tilespmem:s24], [sflag:$0x1] =	stream.indirect.gather [hbm4b:s6+s23], $0x40, s2, s23, $0xb8;
	[tilespmem:$0x15F00] =	vst v63  }
0x57: {  	_ =	swait.ge [sflag:s28], $0x2000  }
0x58: {  	[sflag:s28] =	ssyncset.done $0x0  }
0x59: {  	s2 =	sadd.s32 $0x2800, s0;
	[sflag:s28] =	ssyncadd.s32 $0xFFFFE000  }
0x5a: {  	[spmem:s4] =	stream.indirect.scatter.add.f32 [tilespmem:s21], [sflag:$0x3], $0x10, s2, s23, $0xb8;
	[tilespmem:$0x15F00] =	vst v63  }
.Ltmp0:
0x5b: {  	(pc) =	sbr.rel @p1 .LBB2_2-.Ltmp0, $4  }
0x5c: {  	[spmem:s3] =	stream.indirect.scatter.add.f32 [tilespmem:s25], [sflag:$0x4], $0x40, s2, s23, $0xb8;
	[tilespmem:$0x15F00] =	vst v63  }
0x5d: {  	_ =	swait.ge [sflag:s19], $0x2000  }
0x5e: {  	[sflag:s19] =	ssyncset.done $0x0  }
0x5f: {  	s0 =	sadd.s32 $0x180, s0;
	[sflag:s19] =	ssyncadd.s32 $0xFFFFE000  }
0x60: {  	[tilespmem:s25], [sflag:$0x2] =	stream.indirect.gather [hbm4b:s6+s23], $0x40, s0, s23, $0xb8;
	[tilespmem:$0x15F00] =	vst v63  }
0x61: {  	_ =	swait.ge [sflag:s26], $0x2000  }
0x62: {  	[sflag:s26] =	ssyncset.done $0x0  }
0x63: {  	[sflag:s26] =	ssyncadd.s32 $0xFFFFE000  }
0x64: {  	[spmem:s4] =	stream.indirect.scatter.add.f32 [tilespmem:s21], [sflag:$0x3], $0x10, s29, s23, $0xb8;
	[tilespmem:$0x15F00] =	vst v63  }
0x65: {  	_ = 	snop  }
0x66: {  	[spmem:s3] =	stream.indirect.scatter.add.f32 [tilespmem:s24], [sflag:$0x4], $0x40, s29, s23, $0xb8;
	[tilespmem:$0x15F00] =	vst v63  }
0x67: {  	_ =	swait.ge [sflag:s19], $0x2000  }
0x68: {  	[sflag:s19] =	ssyncset.done $0x0  }
0x69: {  	s0 =	simm.s32 @p0 $0x2;
	[sflag:s19] =	ssyncadd.s32 $0xFFFFE000  }
0x6a: {  	_ =	swait.ge @p0 [sflag:s0], $0x2000  }
0x6b: {  	s1 =	simm.s32 @p0 $0x4E00;
	[sflag:s0] =	ssyncset.done @p0 $0x0  }
0x6c: {  	s2 =	simm.s32 @p0 $0x12F00;
	[sflag:s0] =	ssyncadd.s32 @p0 $0xFFFFE000;
	s0 =	simm.s32 @p0 $0x80  }
0x6d: {  	[spmem:s4] =	stream.indirect.scatter.add.f32 @p0 [tilespmem:s2], [sflag:$0x3], $0x10, s1, s0, $0xb8;
	[tilespmem:$0x15F00] =	vst v63  }
0x6e: {  	s2 =	simm.s32 @p0 $0x6F00  }
0x6f: {  	[spmem:s3] =	stream.indirect.scatter.add.f32 @p0 [tilespmem:s2], [sflag:$0x4], $0x40, s1, s0, $0xb8;
	[tilespmem:$0x15F00] =	vst v63  }
0x70: {  	s0 =	simm.s32 @!p0 $0x80;
	s1 =	simm.s32 @!p0 $0x2700;
	s2 =	simm.s32 @!p0 $0x4F00  }
0x71: {  	[tilespmem:s2], [sflag:$0x1] =	stream.indirect.gather @!p0 [hbm4b:s6+s0], $0x40, s1, s0, $0xb8;
	[tilespmem:$0x15F00] =	vst v63  }
0x72: {  	s1 =	simm.s32 @!p0 $0x2  }
0x73: {  	_ =	swait.ge @!p0 [sflag:s1], $0x2000  }
0x74: {  	[sflag:s1] =	ssyncset.done @!p0 $0x0  }
0x75: {  	s22 =	simm.s32 @!p0 $0x12F00;
	[sflag:s1] =	ssyncadd.s32 @!p0 $0xFFFFE000;
	s1 =	simm.s32 @!p0 $0x4E00  }
0x76: {  	[spmem:s4] =	stream.indirect.scatter.add.f32 @!p0 [tilespmem:s22], [sflag:$0x3], $0x10, s1, s0, $0xb8;
	[tilespmem:$0x15F00] =	vst v63  }
0x77: {  	s7 =	simm.s32 @!p0 $0x6F00  }
0x78: {  	[spmem:s3] =	stream.indirect.scatter.add.f32 @!p0 [tilespmem:s7], [sflag:$0x4], $0x40, s1, s0, $0xb8;
	[tilespmem:$0x15F00] =	vst v63  }
0x79: {  	s1 =	simm.s32 @!p0 $0x4  }
0x7a: {  	_ =	swait.ge @!p0 [sflag:s1], $0x2000  }
0x7b: {  	[sflag:s1] =	ssyncset.done @!p0 $0x0  }
0x7c: {  	[sflag:s1] =	ssyncadd.s32 @!p0 $0xFFFFE000;
	s1 =	simm.s32 @!p0 $0x1  }
0x7d: {  	_ =	swait.ge @!p0 [sflag:s1], $0x2000  }
0x7e: {  	[sflag:s1] =	ssyncset.done @!p0 $0x0  }
0x7f: {  	[sflag:s1] =	ssyncadd.s32 @!p0 $0xFFFFE000;
	s1 =	simm.s32 @!p0 $0x4E80  }
0x80: {  	[spmem:s4] =	stream.indirect.scatter.add.f32 @!p0 [tilespmem:s22], [sflag:$0x3], $0x10, s1, s0, $0xb8;
	[tilespmem:$0x15F00] =	vst v63  }
0x81: {  	p1 =	sne.s32 s9, $0x1  }
0x82: {  	[spmem:s3] =	stream.indirect.scatter.add.f32 @!p0 [tilespmem:s2], [sflag:$0x4], $0x40, s1, s0, $0xb8;
	[tilespmem:$0x15F00] =	vst v63  }
.Ltmp1:
0x83: {  	_ =	swait.ge [sflag:s19], $0x2000;
	(pc) =	sbr.rel @!p1 .LBB2_5-.Ltmp1, $4  }
0x84: {  	[sflag:s19] =	ssyncset.done $0x0  }
0x85: {  	[sflag:s19] =	ssyncadd.s32 $0xFFFFE000  }
0x86: {  	_ =	swait.ge [sflag:s30], $0x800  }
0x87: {  	s1 =	sadd.s32 $0xFFFFFFFF, s9;
	[sflag:s30] =	ssyncset.done $0x0  }
.LBB2_4:
0x88: {  	p1 =	sne.s32 s1, $0x1;
	s1 =	sadd.s32 $0xFFFFFFFF, s1;
	[sflag:s30] =	ssyncadd.s32 $0xFFFFF800  }
.Ltmp2:
0x89: {  	(pc) =	sbr.rel @p1 .LBB2_4-.Ltmp2, $3  }
0x8a: {  	_ =	sdelay $0x1  }
0x8b: {  	_ =	swait.ge [sflag:s30], $0x800  }
0x8c: {  	[sflag:s30] =	ssyncset.done $0x0  }
.LBB2_5:
0x8d: {  	[sflag:s30] =	ssyncadd.s32 $0xFFFFF800  }
0x8e: {  	[bflag:$0x0] =	sbarrier.arrive $0xFFFF  }
0x8f: {  	[hbm:s15], [sflag:s10] =	dma.local [spmem:s18], $0x1400  }
0x90: {  	s31 =	sadd.s32 $0x1, s31;
	_ =	swait.ge [sflag:s19], $0x1400  }
0x91: {  	p1 =	sne.s32 s31, s17;
	[sflag:s19] =	ssyncset.done $0x0  }
.Ltmp3:
0x92: {  	[sflag:s19] =	ssyncadd.s32 $0xFFFFEC00;
	(pc) =	sbr.rel @p1 .LBB2_1-.Ltmp3, $4  }
0x93: {  	[hbm:s16], [sflag:s10] =	dma.local [spmem:s20], $0x500  }
0x94: {  	_ =	swait.ge [sflag:s19], $0x500  }
0x95: {  	[sflag:s19] =	ssyncset.done $0x0  }
0x96: {  	[sflag:s19] =	ssyncadd.s32 $0xFFFFFB00  }
0x97: {  	_ =	sfence.sel $0x180000  }
0x98: {  	[bflag:$0x0] =	sbarrier.arrive $0xFFFF  }
0x99: {  	_ =	strace $0x90000047  }
0x9a: {  	s0 =	stileid.u32;
	[bflag:$0x2] =	sbarrier.arrive $0xFFFF  }
0x9b: {  	p0 =	sne.s32 s0, $0x0;
	s0 =	rddreg [dreg:$0x4]  }
0x9c: {  	s0 =	sadd.s32 @!p0 $0x100000, s0  }
0x9d: {  	[sflag:s0] =	ssyncadd.tile.s32 @!p0 $0x1;
	_ =	shalt  }
.Lfunc_end2:
_tile_overlayer_lowered:
.L_overlay_start_2:
0x9e: {  	(tag) =	ssettag $0x2  }
0x9f: {  	s0 =	rddreg [dreg:$0x0];
	s2 =	stileid.u32  }
0xa0: {  	s1 =	rddreg [dreg:$0x1];
	p0 =	sne.s32 s2, $0x0  }
0xa1: {  	s3 =	rddreg [dreg:$0x2];
	[bflag:$0x3] =	sbarrier.arrive $0xFFFF;
	s2 =	simm.s32 @!p0 $0x1C04  }
0xa2: {  	[timem:s3], [sflag:s2] =	dma.local @!p0 [hbm:s0], s1  }
0xa3: {  	s0 =	simm.s32 @!p0 $0x4  }
0xa4: {  	_ =	swait.ge @!p0 [sflag:s0], s1  }
0xa5: {  	s1 =	ssub.s32 @!p0 $0x0, s1;
	[sflag:s0] =	ssyncset.done @!p0 $0x0  }
0xa6: {  	[sflag:s0] =	ssyncadd.s32 @!p0 s1  }
0xa7: {  	[bflag:$0x3] =	sbarrier.arrive $0xFFFF  }
0xa8: {  	_ =	shalt  }

</sc_bundles>
